<compile_context>
chip_gen: v7x
topology: tpu7x:2x2x1
jax: 0.10.2.dev20260603
libtpu: 0.0.44.dev20260713+nightly
codegen_flags: <defaults>
</compile_context>

<pallas_src>
import functools

import jax
import jax.numpy as jnp
from jax import lax
from jax.experimental import pallas as pl
from jax.experimental.pallas import tpu as pltpu
from jax.experimental.pallas import tpu_sc as plsc

NC = 2
NS = 16
L = 16
CHUNK = 128


def _sc_run(table, feat, srcg, tgtg, tgtl, zeros, *, bs, n, c, e_pad, n_pad):
    t_per_tile = e_pad // NS
    n_chunks = t_per_tile // CHUNK
    s_fin = n // NS

    mesh = plsc.VectorSubcoreMesh(
        core_axis_name="c", subcore_axis_name="s",
        num_cores=NC, num_subcores=NS)

    @functools.partial(
        pl.kernel,
        out_type=jax.ShapeDtypeStruct((bs * n,), jnp.float32),
        mesh=mesh,
        compiler_params=pltpu.CompilerParams(
            use_tc_tiling_on_sc=False, needs_layout_passes=False),
        scratch_types=[
            pltpu.VMEM((CHUNK,), jnp.int32),
            pltpu.VMEM((CHUNK,), jnp.int32),
            pltpu.VMEM((CHUNK,), jnp.int32),
            pltpu.VMEM((CHUNK, c), jnp.float32),
            pltpu.VMEM((CHUNK, c), jnp.float32),
            pltpu.VMEM((CHUNK,), jnp.float32),
            pltpu.VMEM((CHUNK,), jnp.float32),
            pltpu.VMEM((CHUNK,), jnp.float32),
            pltpu.VMEM((s_fin,), jnp.float32),
            pltpu.VMEM((s_fin,), jnp.float32),
            pltpu.VMEM((s_fin,), jnp.float32),
            pltpu.VMEM((s_fin,), jnp.float32),
            pltpu.VMEM_SHARED((n_pad,), jnp.float32),
            pltpu.VMEM_SHARED((n_pad,), jnp.float32),
            pltpu.SemaphoreType.DMA,
            pltpu.SemaphoreType.DMA,
            pltpu.SemaphoreType.DMA,
        ],
    )
    def run(table_h, feat_h, srcg_h, tgtg_h, tgtl_h, zeros_h, out_h,
            idxs, idxt, idxl, srows, trows, fsrc, affb, valb,
            nbuf, dbuf, fbuf, obuf, num_sh, den_sh, sem1, sem2, sem3):
        cid = lax.axis_index("c")
        sid = lax.axis_index("s")

        ilen = n_pad // NS
        ib = sid * ilen
        pltpu.sync_copy(zeros_h.at[pl.ds(ib, ilen)], num_sh.at[pl.ds(ib, ilen)])
        pltpu.sync_copy(zeros_h.at[pl.ds(ib, ilen)], den_sh.at[pl.ds(ib, ilen)])
        plsc.subcore_barrier()

        rows_g = [g * L + lax.iota(jnp.int32, L) for g in range(CHUNK // L)]
        tbase = cid * e_pad + sid * t_per_tile

        def chunk_body(k, carry):
            base = tbase + k * CHUNK
            pltpu.sync_copy(srcg_h.at[pl.ds(base, CHUNK)], idxs)
            pltpu.sync_copy(tgtg_h.at[pl.ds(base, CHUNK)], idxt)
            pltpu.sync_copy(tgtl_h.at[pl.ds(base, CHUNK)], idxl)
            d1 = pltpu.async_copy(table_h.at[idxs], srows, sem1)
            d2 = pltpu.async_copy(table_h.at[idxt], trows, sem2)
            d3 = pltpu.async_copy(feat_h.at[idxs], fsrc, sem3)
            d1.wait()
            d2.wait()
            d3.wait()
            for g in range(CHUNK // L):
                rows = rows_g[g]

                def ch_step(i, acc_col, rows=rows):
                    acc, colv = acc_col
                    for _ in range(8):
                        sv = plsc.load_gather(srows, [rows, colv])
                        tv = plsc.load_gather(trows, [rows, colv])
                        d = sv - tv
                        acc = acc + d * d
                        colv = colv + 1
                    return acc, colv

                acc0 = jnp.zeros((L,), jnp.float32)
                col0 = jnp.zeros((L,), jnp.int32)
                acc, _ = lax.fori_loop(0, c // 8, ch_step, (acc0, col0))
                aff = jnp.exp(-acc)
                fs = fsrc[pl.ds(g * L, L)]
                affb[pl.ds(g * L, L)] = aff
                valb[pl.ds(g * L, L)] = aff * fs
            pltpu.async_copy(valb, num_sh.at[idxl], sem1, add=True).wait()
            pltpu.async_copy(affb, den_sh.at[idxl], sem2, add=True).wait()
            return carry

        lax.fori_loop(0, n_chunks, chunk_body, 0)
        plsc.subcore_barrier()

        ob = sid * s_fin
        pltpu.sync_copy(num_sh.at[pl.ds(ob, s_fin)], nbuf)
        pltpu.sync_copy(den_sh.at[pl.ds(ob, s_fin)], dbuf)
        pltpu.sync_copy(feat_h.at[pl.ds(cid * n + ob, s_fin)], fbuf)

        def fin_body(i, carry):
            sl = pl.ds(i * L, L)
            obuf[sl] = (fbuf[sl] + nbuf[sl]) / (1.0 + dbuf[sl])
            return carry

        lax.fori_loop(0, s_fin // L, fin_body, 0)
        pltpu.sync_copy(obuf, out_h.at[pl.ds(cid * n + ob, s_fin)])

    return run(table, feat, srcg, tgtg, tgtl, zeros)


def kernel(feature_in, embed_in, tree, zeta_g=0.01):
    bs, c, h, w = embed_in.shape
    n = h * w
    e = tree.shape[1]
    assert bs == NC and c % 8 == 0 and n % (NS * L) == 0

    per = NS * CHUNK
    e_pad = ((e + per - 1) // per) * per
    n_pad = ((n + 1 + 127) // 128) * 128

    zeta = jnp.asarray(zeta_g, jnp.float32)
    scale = lax.rsqrt(zeta)
    table = (embed_in.reshape(bs, c, n) * scale).transpose(0, 2, 1)
    table = table.reshape(bs * n, c)
    feat = feature_in.reshape(bs * n).astype(jnp.float32)

    src = tree[:, :, 0].astype(jnp.int32)
    tgt = tree[:, :, 1].astype(jnp.int32)
    pad = e_pad - e
    off = (jnp.arange(bs, dtype=jnp.int32) * n)[:, None]
    srcg = (jnp.pad(src, ((0, 0), (0, pad))) + off).reshape(-1)
    tgtg = (jnp.pad(tgt, ((0, 0), (0, pad))) + off).reshape(-1)
    tgtl = jnp.pad(tgt, ((0, 0), (0, pad)), constant_values=n).reshape(-1)
    zeros = jnp.zeros((n_pad,), jnp.float32)

    out = _sc_run(table, feat, srcg, tgtg, tgtl, zeros,
                  bs=bs, n=n, c=c, e_pad=e_pad, n_pad=n_pad)
    return out.reshape(bs, 1, h, w)

# --- scband reference (transcript-rebuilt; emitter-appended) ---
"""Pipeline reference for scband-global-apro-11871289606747 (READ-ONLY COPY).

The authoritative reference and input builder live on the scoring server;
editing this copy changes nothing except your own understanding.
"""

import jax, jax.numpy as jnp
import numpy as np


def get_true_index(data, index):
    # data: [bs, C, N], index: [bs, E] -> gathered [bs, C, E]
    bs, C, N = data.shape
    idx = jnp.broadcast_to(index[:, None, :], (bs, C, index.shape[1]))
    return jnp.take_along_axis(data, idx, axis=2)


def norm2_distance(src, tgt):
    diff = src - tgt
    return (diff * diff).sum(axis=1)  # [bs, E]


def gp_process(tree, edge_weight, feature_in, zeta_g):
    # One step of global affinity propagation along tree edges.
    # affinity a_e = exp(-||emb_src - emb_tgt||^2 / zeta_g)
    # out[v] = (f[v] + sum_{e: tgt(e)=v} a_e * f[src(e)]) / (1 + sum_{e: tgt(e)=v} a_e)
    src = tree[:, :, 0]
    tgt = tree[:, :, 1]
    aff = jnp.exp(-edge_weight / zeta_g)  # [bs, E]
    N = feature_in.shape[1]
    gathered = jnp.take_along_axis(feature_in, src, axis=1)  # [bs, E]

    def scat(t, v):
        return jnp.zeros((N,), dtype=v.dtype).at[t].add(v)

    num = jax.vmap(scat)(tgt, aff * gathered)  # [bs, N]
    den = jax.vmap(scat)(tgt, aff)             # [bs, N]
    return (feature_in + num) / (1.0 + den)


def setup_inputs(seed: int = 0):
    key = jax.random.key(seed)
    k1, k2, k3, k4 = jax.random.split(key, 4)
    bs, c, h, w = 2, 96, 384, 384
    N = h * w
    E = N - 1
    feature_in = jax.random.normal(k1, (bs, 1, h, w), dtype=jnp.float32)
    embed_in = jax.random.normal(k2, (bs, c, h, w), dtype=jnp.float32)
    src = jax.random.randint(k3, (bs, E, 1), 0, N, dtype=jnp.int32)
    tgt = jax.random.randint(k4, (bs, E, 1), 0, N, dtype=jnp.int32)
    tree = jnp.concatenate([src, tgt], axis=2)  # [bs, E, 2]
    return {
        "feature_in": feature_in,
        "embed_in": embed_in,
        "tree": tree,
        "zeta_g": jnp.float32(0.01),
    }


def reference(feature_in, embed_in, tree, zeta_g=0.01):
    source_idx = tree[:, :, 0]
    target_idx = tree[:, :, 1]
    bs, c, h, w = embed_in.shape
    embed = embed_in.reshape(bs, c, -1)
    source_node = get_true_index(embed, source_idx)
    target_node = get_true_index(embed, target_idx)
    edge_weight = norm2_distance(source_node, target_node)
    feat = feature_in.reshape(bs, -1)
    feature_out = gp_process(tree, edge_weight, feat, zeta_g)
    feature_out = feature_out.reshape(bs, 1, h, w)
    return feature_out

if __name__ == "__main__":
    import jax
    _d = setup_inputs()
    print(jax.jit(kernel)(*tuple(_d.values())))

</pallas_src>

<mosaic_0001>
#map = affine_map<(d0, d1) -> (0, 0)>
#map1 = affine_map<(d0, d1) -> (0)>
module attributes {stable_mosaic.version = 14 : i64} {
  func.func @run(%arg0: i32, %arg1: i32, %arg2: memref<294912x96xf32, #tpu.memory_space<hbm>>, %arg3: memref<294912xf32, #tpu.memory_space<hbm>>, %arg4: memref<294912xi32, #tpu.memory_space<hbm>>, %arg5: memref<294912xi32, #tpu.memory_space<hbm>>, %arg6: memref<294912xi32, #tpu.memory_space<hbm>>, %arg7: memref<147584xf32, #tpu.memory_space<hbm>>, %arg8: memref<294912xf32, #tpu.memory_space<hbm>>, %arg9: memref<128xi32, #tpu.memory_space<vmem>>, %arg10: memref<128xi32, #tpu.memory_space<vmem>>, %arg11: memref<128xi32, #tpu.memory_space<vmem>>, %arg12: memref<128x96xf32, #tpu.memory_space<vmem>>, %arg13: memref<128x96xf32, #tpu.memory_space<vmem>>, %arg14: memref<128xf32, #tpu.memory_space<vmem>>, %arg15: memref<128xf32, #tpu.memory_space<vmem>>, %arg16: memref<128xf32, #tpu.memory_space<vmem>>, %arg17: memref<9216xf32, #tpu.memory_space<vmem>>, %arg18: memref<9216xf32, #tpu.memory_space<vmem>>, %arg19: memref<9216xf32, #tpu.memory_space<vmem>>, %arg20: memref<9216xf32, #tpu.memory_space<vmem>>, %arg21: memref<147584xf32, #tpu.memory_space<vmem_shared>>, %arg22: memref<147584xf32, #tpu.memory_space<vmem_shared>>, %arg23: memref<!tpu.dma_semaphore, #tpu.memory_space<semaphore_mem>>, %arg24: memref<!tpu.dma_semaphore, #tpu.memory_space<semaphore_mem>>, %arg25: memref<!tpu.dma_semaphore, #tpu.memory_space<semaphore_mem>>) attributes {dimension_semantics = [#tpu.dimension_semantics<core_parallel>, #tpu.dimension_semantics<subcore_parallel>], iteration_bounds = array<i64: 2, 16>, scalar_prefetch = 0 : i64, scratch_operands = 17 : i64, tpu.core_type = #tpu.core_type<sc_vector_subcore>, window_params = [{transform_indices = #map}, {transform_indices = #map1}, {transform_indices = #map1}, {transform_indices = #map1}, {transform_indices = #map1}, {transform_indices = #map1}, {transform_indices = #map1}]} {
    %mul3A = arith.constant 9224 : i32
    %mul3A_0 = arith.muli %arg1, %mul3A : i32
    "tpu.region"() ({
      %run_scoped3A = tpu.sem_alloc : memref<!tpu.dma_semaphore, #tpu.memory_space<semaphore_mem>>
      %dma_start3A = tpu.memref_slice %arg21[%mul3A_0] : memref<147584xf32, #tpu.memory_space<vmem_shared>> -> memref<9224xf32, #tpu.memory_space<vmem_shared>>
      %dma_start3A_56 = tpu.memref_slice %arg7[%mul3A_0] : memref<147584xf32, #tpu.memory_space<hbm>> -> memref<9224xf32, #tpu.memory_space<hbm>>
      tpu.enqueue_dma source(%dma_start3A_56 : memref<9224xf32, #tpu.memory_space<hbm>>) target(%dma_start3A : memref<9224xf32, #tpu.memory_space<vmem_shared>>) target_semaphore(%run_scoped3A : memref<!tpu.dma_semaphore, #tpu.memory_space<semaphore_mem>>)
      %dma_wait3A = tpu.memref_slice %arg21[%mul3A_0] : memref<147584xf32, #tpu.memory_space<vmem_shared>> -> memref<9224xf32, #tpu.memory_space<vmem_shared>>
      %dma_wait3A_57 = tpu.memref_slice %arg7[%mul3A_0] : memref<147584xf32, #tpu.memory_space<hbm>> -> memref<9224xf32, #tpu.memory_space<hbm>>
      tpu.wait_dma2 semaphore(%run_scoped3A : memref<!tpu.dma_semaphore, #tpu.memory_space<semaphore_mem>>) src(%dma_wait3A_57 : memref<9224xf32, #tpu.memory_space<hbm>>) dst(%dma_wait3A : memref<9224xf32, #tpu.memory_space<vmem_shared>>)
      tpu.yield
    }) : () -> ()
    "tpu.region"() ({
      %run_scoped3A = tpu.sem_alloc : memref<!tpu.dma_semaphore, #tpu.memory_space<semaphore_mem>>
      %dma_start3A = tpu.memref_slice %arg22[%mul3A_0] : memref<147584xf32, #tpu.memory_space<vmem_shared>> -> memref<9224xf32, #tpu.memory_space<vmem_shared>>
      %dma_start3A_56 = tpu.memref_slice %arg7[%mul3A_0] : memref<147584xf32, #tpu.memory_space<hbm>> -> memref<9224xf32, #tpu.memory_space<hbm>>
      tpu.enqueue_dma source(%dma_start3A_56 : memref<9224xf32, #tpu.memory_space<hbm>>) target(%dma_start3A : memref<9224xf32, #tpu.memory_space<vmem_shared>>) target_semaphore(%run_scoped3A : memref<!tpu.dma_semaphore, #tpu.memory_space<semaphore_mem>>)
      %dma_wait3A = tpu.memref_slice %arg22[%mul3A_0] : memref<147584xf32, #tpu.memory_space<vmem_shared>> -> memref<9224xf32, #tpu.memory_space<vmem_shared>>
      %dma_wait3A_57 = tpu.memref_slice %arg7[%mul3A_0] : memref<147584xf32, #tpu.memory_space<hbm>> -> memref<9224xf32, #tpu.memory_space<hbm>>
      tpu.wait_dma2 semaphore(%run_scoped3A : memref<!tpu.dma_semaphore, #tpu.memory_space<semaphore_mem>>) src(%dma_wait3A_57 : memref<9224xf32, #tpu.memory_space<hbm>>) dst(%dma_wait3A : memref<9224xf32, #tpu.memory_space<vmem_shared>>)
      tpu.yield
    }) : () -> ()
    %barrier3A = arith.constant 0 : index
    tpu.barrier barrier_id(%barrier3A)
    %iota3A = tpu.iota {dimensions = array<i32: 0>} : vector<16xi32>
    %add3A = arith.constant 0 : i32
    %add3A_1 = vector.broadcast %add3A : i32 to vector<16xi32>
    %add3A_2 = arith.addi %add3A_1, %iota3A : vector<16xi32>
    %iota3A_3 = tpu.iota {dimensions = array<i32: 0>} : vector<16xi32>
    %add3A_4 = arith.constant 16 : i32
    %add3A_5 = vector.broadcast %add3A_4 : i32 to vector<16xi32>
    %add3A_6 = arith.addi %add3A_5, %iota3A_3 : vector<16xi32>
    %iota3A_7 = tpu.iota {dimensions = array<i32: 0>} : vector<16xi32>
    %add3A_8 = arith.constant 32 : i32
    %add3A_9 = vector.broadcast %add3A_8 : i32 to vector<16xi32>
    %add3A_10 = arith.addi %add3A_9, %iota3A_7 : vector<16xi32>
    %iota3A_11 = tpu.iota {dimensions = array<i32: 0>} : vector<16xi32>
    %add3A_12 = arith.constant 48 : i32
    %add3A_13 = vector.broadcast %add3A_12 : i32 to vector<16xi32>
    %add3A_14 = arith.addi %add3A_13, %iota3A_11 : vector<16xi32>
    %iota3A_15 = tpu.iota {dimensions = array<i32: 0>} : vector<16xi32>
    %add3A_16 = arith.constant 64 : i32
    %add3A_17 = vector.broadcast %add3A_16 : i32 to vector<16xi32>
    %add3A_18 = arith.addi %add3A_17, %iota3A_15 : vector<16xi32>
    %iota3A_19 = tpu.iota {dimensions = array<i32: 0>} : vector<16xi32>
    %add3A_20 = arith.constant 80 : i32
    %add3A_21 = vector.broadcast %add3A_20 : i32 to vector<16xi32>
    %add3A_22 = arith.addi %add3A_21, %iota3A_19 : vector<16xi32>
    %iota3A_23 = tpu.iota {dimensions = array<i32: 0>} : vector<16xi32>
    %add3A_24 = arith.constant 96 : i32
    %add3A_25 = vector.broadcast %add3A_24 : i32 to vector<16xi32>
    %add3A_26 = arith.addi %add3A_25, %iota3A_23 : vector<16xi32>
    %iota3A_27 = tpu.iota {dimensions = array<i32: 0>} : vector<16xi32>
    %add3A_28 = arith.constant 112 : i32
    %add3A_29 = vector.broadcast %add3A_28 : i32 to vector<16xi32>
    %add3A_30 = arith.addi %add3A_29, %iota3A_27 : vector<16xi32>
    %mul3A_31 = arith.constant 147456 : i32
    %mul3A_32 = arith.muli %arg0, %mul3A_31 : i32
    %mul3A_33 = arith.constant 9216 : i32
    %mul3A_34 = arith.muli %arg1, %mul3A_33 : i32
    %add3A_35 = arith.addi %mul3A_32, %mul3A_34 : i32
    %scan3A = arith.constant 0 : i32
    %scan3A_36 = arith.constant 0 : i32
    %scan3A_37 = arith.constant 72 : i32
    %scan3A_38 = arith.addi %scan3A_36, %scan3A_37 : i32
    %scan3A_39 = arith.constant 1 : i32
    scf.for %scan3A_56 = %scan3A_36 to %scan3A_38 step %scan3A_39  : i32 {
      %mul3A_57 = arith.constant 128 : i32
      %mul3A_58 = arith.muli %scan3A_56, %mul3A_57 : i32
      %add3A_59 = arith.addi %add3A_35, %mul3A_58 : i32
      "tpu.region"() ({
        %run_scoped3A = tpu.sem_alloc : memref<!tpu.dma_semaphore, #tpu.memory_space<semaphore_mem>>
        %dma_start3A_245 = tpu.memref_slice %arg4[%add3A_59] : memref<294912xi32, #tpu.memory_space<hbm>> -> memref<128xi32, #tpu.memory_space<hbm>>
        %dma_start3A_246 = tpu.memref_slice %arg4[%add3A_59] : memref<294912xi32, #tpu.memory_space<hbm>> -> memref<128xi32, #tpu.memory_space<hbm>>
        tpu.enqueue_dma source(%dma_start3A_246 : memref<128xi32, #tpu.memory_space<hbm>>) target(%arg9 : memref<128xi32, #tpu.memory_space<vmem>>) target_semaphore(%run_scoped3A : memref<!tpu.dma_semaphore, #tpu.memory_space<semaphore_mem>>)
        %dma_wait3A_247 = tpu.memref_slice %arg4[%add3A_59] : memref<294912xi32, #tpu.memory_space<hbm>> -> memref<128xi32, #tpu.memory_space<hbm>>
        %dma_wait3A_248 = tpu.memref_slice %arg4[%add3A_59] : memref<294912xi32, #tpu.memory_space<hbm>> -> memref<128xi32, #tpu.memory_space<hbm>>
        tpu.wait_dma2 semaphore(%run_scoped3A : memref<!tpu.dma_semaphore, #tpu.memory_space<semaphore_mem>>) src(%dma_wait3A_248 : memref<128xi32, #tpu.memory_space<hbm>>) dst(%arg9 : memref<128xi32, #tpu.memory_space<vmem>>)
        tpu.yield
      }) : () -> ()
      "tpu.region"() ({
        %run_scoped3A = tpu.sem_alloc : memref<!tpu.dma_semaphore, #tpu.memory_space<semaphore_mem>>
        %dma_start3A_245 = tpu.memref_slice %arg5[%add3A_59] : memref<294912xi32, #tpu.memory_space<hbm>> -> memref<128xi32, #tpu.memory_space<hbm>>
        %dma_start3A_246 = tpu.memref_slice %arg5[%add3A_59] : memref<294912xi32, #tpu.memory_space<hbm>> -> memref<128xi32, #tpu.memory_space<hbm>>
        tpu.enqueue_dma source(%dma_start3A_246 : memref<128xi32, #tpu.memory_space<hbm>>) target(%arg10 : memref<128xi32, #tpu.memory_space<vmem>>) target_semaphore(%run_scoped3A : memref<!tpu.dma_semaphore, #tpu.memory_space<semaphore_mem>>)
        %dma_wait3A_247 = tpu.memref_slice %arg5[%add3A_59] : memref<294912xi32, #tpu.memory_space<hbm>> -> memref<128xi32, #tpu.memory_space<hbm>>
        %dma_wait3A_248 = tpu.memref_slice %arg5[%add3A_59] : memref<294912xi32, #tpu.memory_space<hbm>> -> memref<128xi32, #tpu.memory_space<hbm>>
        tpu.wait_dma2 semaphore(%run_scoped3A : memref<!tpu.dma_semaphore, #tpu.memory_space<semaphore_mem>>) src(%dma_wait3A_248 : memref<128xi32, #tpu.memory_space<hbm>>) dst(%arg10 : memref<128xi32, #tpu.memory_space<vmem>>)
        tpu.yield
      }) : () -> ()
      "tpu.region"() ({
        %run_scoped3A = tpu.sem_alloc : memref<!tpu.dma_semaphore, #tpu.memory_space<semaphore_mem>>
        %dma_start3A_245 = tpu.memref_slice %arg6[%add3A_59] : memref<294912xi32, #tpu.memory_space<hbm>> -> memref<128xi32, #tpu.memory_space<hbm>>
        %dma_start3A_246 = tpu.memref_slice %arg6[%add3A_59] : memref<294912xi32, #tpu.memory_space<hbm>> -> memref<128xi32, #tpu.memory_space<hbm>>
        tpu.enqueue_dma source(%dma_start3A_246 : memref<128xi32, #tpu.memory_space<hbm>>) target(%arg11 : memref<128xi32, #tpu.memory_space<vmem>>) target_semaphore(%run_scoped3A : memref<!tpu.dma_semaphore, #tpu.memory_space<semaphore_mem>>)
        %dma_wait3A_247 = tpu.memref_slice %arg6[%add3A_59] : memref<294912xi32, #tpu.memory_space<hbm>> -> memref<128xi32, #tpu.memory_space<hbm>>
        %dma_wait3A_248 = tpu.memref_slice %arg6[%add3A_59] : memref<294912xi32, #tpu.memory_space<hbm>> -> memref<128xi32, #tpu.memory_space<hbm>>
        tpu.wait_dma2 semaphore(%run_scoped3A : memref<!tpu.dma_semaphore, #tpu.memory_space<semaphore_mem>>) src(%dma_wait3A_248 : memref<128xi32, #tpu.memory_space<hbm>>) dst(%arg11 : memref<128xi32, #tpu.memory_space<vmem>>)
        tpu.yield
      }) : () -> ()
      %dma_start3A = arith.constant 0 : i32
      %dma_start3A_60 = arith.constant 0 : i32
      %dma_start3A_61 = tpu.memref_slice %arg2[%dma_start3A, %dma_start3A_60] : memref<294912x96xf32, #tpu.memory_space<hbm>> -> memref<294912x96xf32, #tpu.memory_space<hbm>>
      tpu.enqueue_indirect_dma source(%dma_start3A_61 : memref<294912x96xf32, #tpu.memory_space<hbm>>) target(%arg12 : memref<128x96xf32, #tpu.memory_space<vmem>>) offsets(%arg9 : memref<128xi32, #tpu.memory_space<vmem>>) semaphore(%arg23 : memref<!tpu.dma_semaphore, #tpu.memory_space<semaphore_mem>>)
      %dma_start3A_62 = arith.constant 0 : i32
      %dma_start3A_63 = arith.constant 0 : i32
      %dma_start3A_64 = tpu.memref_slice %arg2[%dma_start3A_62, %dma_start3A_63] : memref<294912x96xf32, #tpu.memory_space<hbm>> -> memref<294912x96xf32, #tpu.memory_space<hbm>>
      tpu.enqueue_indirect_dma source(%dma_start3A_64 : memref<294912x96xf32, #tpu.memory_space<hbm>>) target(%arg13 : memref<128x96xf32, #tpu.memory_space<vmem>>) offsets(%arg10 : memref<128xi32, #tpu.memory_space<vmem>>) semaphore(%arg24 : memref<!tpu.dma_semaphore, #tpu.memory_space<semaphore_mem>>)
      %dma_start3A_65 = arith.constant 0 : i32
      %dma_start3A_66 = tpu.memref_slice %arg3[%dma_start3A_65] : memref<294912xf32, #tpu.memory_space<hbm>> -> memref<294912xf32, #tpu.memory_space<hbm>>
      tpu.enqueue_indirect_dma source(%dma_start3A_66 : memref<294912xf32, #tpu.memory_space<hbm>>) target(%arg14 : memref<128xf32, #tpu.memory_space<vmem>>) offsets(%arg9 : memref<128xi32, #tpu.memory_space<vmem>>) semaphore(%arg25 : memref<!tpu.dma_semaphore, #tpu.memory_space<semaphore_mem>>)
      %dma_wait3A = arith.constant 0 : i32
      %dma_wait3A_67 = arith.constant 0 : i32
      %dma_wait3A_68 = tpu.memref_slice %arg2[%dma_wait3A, %dma_wait3A_67] : memref<294912x96xf32, #tpu.memory_space<hbm>> -> memref<294912x96xf32, #tpu.memory_space<hbm>>
      tpu.wait_indirect_dma semaphore(%arg23 : memref<!tpu.dma_semaphore, #tpu.memory_space<semaphore_mem>>) src(%dma_wait3A_68 : memref<294912x96xf32, #tpu.memory_space<hbm>>) dst(%arg12 : memref<128x96xf32, #tpu.memory_space<vmem>>)
      %dma_wait3A_69 = arith.constant 0 : i32
      %dma_wait3A_70 = arith.constant 0 : i32
      %dma_wait3A_71 = tpu.memref_slice %arg2[%dma_wait3A_69, %dma_wait3A_70] : memref<294912x96xf32, #tpu.memory_space<hbm>> -> memref<294912x96xf32, #tpu.memory_space<hbm>>
      tpu.wait_indirect_dma semaphore(%arg24 : memref<!tpu.dma_semaphore, #tpu.memory_space<semaphore_mem>>) src(%dma_wait3A_71 : memref<294912x96xf32, #tpu.memory_space<hbm>>) dst(%arg13 : memref<128x96xf32, #tpu.memory_space<vmem>>)
      %dma_wait3A_72 = arith.constant 0 : i32
      %dma_wait3A_73 = tpu.memref_slice %arg3[%dma_wait3A_72] : memref<294912xf32, #tpu.memory_space<hbm>> -> memref<294912xf32, #tpu.memory_space<hbm>>
      tpu.wait_indirect_dma semaphore(%arg25 : memref<!tpu.dma_semaphore, #tpu.memory_space<semaphore_mem>>) src(%dma_wait3A_73 : memref<294912xf32, #tpu.memory_space<hbm>>) dst(%arg14 : memref<128xf32, #tpu.memory_space<vmem>>)
      %broadcast_in_dim3A = arith.constant 0.000000e+00 : f32
      %broadcast_in_dim3A_74 = vector.broadcast %broadcast_in_dim3A : f32 to vector<16xf32>
      %broadcast_in_dim3A_75 = arith.constant 0 : i32
      %broadcast_in_dim3A_76 = vector.broadcast %broadcast_in_dim3A_75 : i32 to vector<16xi32>
      %scan3A_77 = arith.constant 0 : i32
      %scan3A_78 = arith.constant 12 : i32
      %scan3A_79 = arith.addi %scan3A_77, %scan3A_78 : i32
      %scan3A_80 = arith.constant 1 : i32
      %scan3A_81:2 = scf.for %scan3A_245 = %scan3A_77 to %scan3A_79 step %scan3A_80 iter_args(%scan3A_246 = %broadcast_in_dim3A_74, %scan3A_247 = %broadcast_in_dim3A_76) -> (vector<16xf32>, vector<16xi32>)  : i32 {
        %gather3A = tpu.vector_load_idx %arg12[%add3A_2, %scan3A_247] : memref<128x96xf32, #tpu.memory_space<vmem>>[vector<16xi32>, vector<16xi32>], vector<16xf32>,
        %gather3A_248 = tpu.vector_load_idx %arg13[%add3A_2, %scan3A_247] : memref<128x96xf32, #tpu.memory_space<vmem>>[vector<16xi32>, vector<16xi32>], vector<16xf32>,
        %sub3A = arith.subf %gather3A, %gather3A_248 : vector<16xf32>
        %mul3A_249 = arith.mulf %sub3A, %sub3A : vector<16xf32>
        %add3A_250 = arith.addf %scan3A_246, %mul3A_249 : vector<16xf32>
        %add3A_251 = arith.constant 1 : i32
        %add3A_252 = vector.broadcast %add3A_251 : i32 to vector<16xi32>
        %add3A_253 = arith.addi %scan3A_247, %add3A_252 : vector<16xi32>
        %gather3A_254 = tpu.vector_load_idx %arg12[%add3A_2, %add3A_253] : memref<128x96xf32, #tpu.memory_space<vmem>>[vector<16xi32>, vector<16xi32>], vector<16xf32>,
        %gather3A_255 = tpu.vector_load_idx %arg13[%add3A_2, %add3A_253] : memref<128x96xf32, #tpu.memory_space<vmem>>[vector<16xi32>, vector<16xi32>], vector<16xf32>,
        %sub3A_256 = arith.subf %gather3A_254, %gather3A_255 : vector<16xf32>
        %mul3A_257 = arith.mulf %sub3A_256, %sub3A_256 : vector<16xf32>
        %add3A_258 = arith.addf %add3A_250, %mul3A_257 : vector<16xf32>
        %add3A_259 = arith.constant 1 : i32
        %add3A_260 = vector.broadcast %add3A_259 : i32 to vector<16xi32>
        %add3A_261 = arith.addi %add3A_253, %add3A_260 : vector<16xi32>
        %gather3A_262 = tpu.vector_load_idx %arg12[%add3A_2, %add3A_261] : memref<128x96xf32, #tpu.memory_space<vmem>>[vector<16xi32>, vector<16xi32>], vector<16xf32>,
        %gather3A_263 = tpu.vector_load_idx %arg13[%add3A_2, %add3A_261] : memref<128x96xf32, #tpu.memory_space<vmem>>[vector<16xi32>, vector<16xi32>], vector<16xf32>,
        %sub3A_264 = arith.subf %gather3A_262, %gather3A_263 : vector<16xf32>
        %mul3A_265 = arith.mulf %sub3A_264, %sub3A_264 : vector<16xf32>
        %add3A_266 = arith.addf %add3A_258, %mul3A_265 : vector<16xf32>
        %add3A_267 = arith.constant 1 : i32
        %add3A_268 = vector.broadcast %add3A_267 : i32 to vector<16xi32>
        %add3A_269 = arith.addi %add3A_261, %add3A_268 : vector<16xi32>
        %gather3A_270 = tpu.vector_load_idx %arg12[%add3A_2, %add3A_269] : memref<128x96xf32, #tpu.memory_space<vmem>>[vector<16xi32>, vector<16xi32>], vector<16xf32>,
        %gather3A_271 = tpu.vector_load_idx %arg13[%add3A_2, %add3A_269] : memref<128x96xf32, #tpu.memory_space<vmem>>[vector<16xi32>, vector<16xi32>], vector<16xf32>,
        %sub3A_272 = arith.subf %gather3A_270, %gather3A_271 : vector<16xf32>
        %mul3A_273 = arith.mulf %sub3A_272, %sub3A_272 : vector<16xf32>
        %add3A_274 = arith.addf %add3A_266, %mul3A_273 : vector<16xf32>
        %add3A_275 = arith.constant 1 : i32
        %add3A_276 = vector.broadcast %add3A_275 : i32 to vector<16xi32>
        %add3A_277 = arith.addi %add3A_269, %add3A_276 : vector<16xi32>
        %gather3A_278 = tpu.vector_load_idx %arg12[%add3A_2, %add3A_277] : memref<128x96xf32, #tpu.memory_space<vmem>>[vector<16xi32>, vector<16xi32>], vector<16xf32>,
        %gather3A_279 = tpu.vector_load_idx %arg13[%add3A_2, %add3A_277] : memref<128x96xf32, #tpu.memory_space<vmem>>[vector<16xi32>, vector<16xi32>], vector<16xf32>,
        %sub3A_280 = arith.subf %gather3A_278, %gather3A_279 : vector<16xf32>
        %mul3A_281 = arith.mulf %sub3A_280, %sub3A_280 : vector<16xf32>
        %add3A_282 = arith.addf %add3A_274, %mul3A_281 : vector<16xf32>
        %add3A_283 = arith.constant 1 : i32
        %add3A_284 = vector.broadcast %add3A_283 : i32 to vector<16xi32>
        %add3A_285 = arith.addi %add3A_277, %add3A_284 : vector<16xi32>
        %gather3A_286 = tpu.vector_load_idx %arg12[%add3A_2, %add3A_285] : memref<128x96xf32, #tpu.memory_space<vmem>>[vector<16xi32>, vector<16xi32>], vector<16xf32>,
        %gather3A_287 = tpu.vector_load_idx %arg13[%add3A_2, %add3A_285] : memref<128x96xf32, #tpu.memory_space<vmem>>[vector<16xi32>, vector<16xi32>], vector<16xf32>,
        %sub3A_288 = arith.subf %gather3A_286, %gather3A_287 : vector<16xf32>
        %mul3A_289 = arith.mulf %sub3A_288, %sub3A_288 : vector<16xf32>
        %add3A_290 = arith.addf %add3A_282, %mul3A_289 : vector<16xf32>
        %add3A_291 = arith.constant 1 : i32
        %add3A_292 = vector.broadcast %add3A_291 : i32 to vector<16xi32>
        %add3A_293 = arith.addi %add3A_285, %add3A_292 : vector<16xi32>
        %gather3A_294 = tpu.vector_load_idx %arg12[%add3A_2, %add3A_293] : memref<128x96xf32, #tpu.memory_space<vmem>>[vector<16xi32>, vector<16xi32>], vector<16xf32>,
        %gather3A_295 = tpu.vector_load_idx %arg13[%add3A_2, %add3A_293] : memref<128x96xf32, #tpu.memory_space<vmem>>[vector<16xi32>, vector<16xi32>], vector<16xf32>,
        %sub3A_296 = arith.subf %gather3A_294, %gather3A_295 : vector<16xf32>
        %mul3A_297 = arith.mulf %sub3A_296, %sub3A_296 : vector<16xf32>
        %add3A_298 = arith.addf %add3A_290, %mul3A_297 : vector<16xf32>
        %add3A_299 = arith.constant 1 : i32
        %add3A_300 = vector.broadcast %add3A_299 : i32 to vector<16xi32>
        %add3A_301 = arith.addi %add3A_293, %add3A_300 : vector<16xi32>
        %gather3A_302 = tpu.vector_load_idx %arg12[%add3A_2, %add3A_301] : memref<128x96xf32, #tpu.memory_space<vmem>>[vector<16xi32>, vector<16xi32>], vector<16xf32>,
        %gather3A_303 = tpu.vector_load_idx %arg13[%add3A_2, %add3A_301] : memref<128x96xf32, #tpu.memory_space<vmem>>[vector<16xi32>, vector<16xi32>], vector<16xf32>,
        %sub3A_304 = arith.subf %gather3A_302, %gather3A_303 : vector<16xf32>
        %mul3A_305 = arith.mulf %sub3A_304, %sub3A_304 : vector<16xf32>
        %add3A_306 = arith.addf %add3A_298, %mul3A_305 : vector<16xf32>
        %add3A_307 = arith.constant 1 : i32
        %add3A_308 = vector.broadcast %add3A_307 : i32 to vector<16xi32>
        %add3A_309 = arith.addi %add3A_301, %add3A_308 : vector<16xi32>
        scf.yield %add3A_306, %add3A_309 : vector<16xf32>, vector<16xi32>
      }
      %scan3A_82 = arith.constant 12 : i32
      %neg3A = arith.constant 0.000000e+00 : f32
      %neg3A_83 = vector.broadcast %neg3A : f32 to vector<16xf32>
      %neg3A_84 = arith.subf %neg3A_83, %scan3A_81#0 : vector<16xf32>
      %exp3A = math.exp %neg3A_84 : vector<16xf32>
      %get3A = arith.constant 0 : index
      %get3A_85 = tpu.vector_load %arg14[%get3A] {strides = array<i32>} : memref<128xf32, #tpu.memory_space<vmem>>, vector<16xf32>,
      %swap3A = arith.constant 0 : index
      %swap3A_86 = tpu.vector_load %arg15[%swap3A] {strides = array<i32>} : memref<128xf32, #tpu.memory_space<vmem>>, vector<16xf32>,
      tpu.vector_store %arg15[%swap3A], %exp3A {strides = array<i32>} : memref<128xf32, #tpu.memory_space<vmem>>, vector<16xf32>,
      %mul3A_87 = arith.mulf %exp3A, %get3A_85 : vector<16xf32>
      %swap3A_88 = arith.constant 0 : index
      %swap3A_89 = tpu.vector_load %arg16[%swap3A_88] {strides = array<i32>} : memref<128xf32, #tpu.memory_space<vmem>>, vector<16xf32>,
      tpu.vector_store %arg16[%swap3A_88], %mul3A_87 {strides = array<i32>} : memref<128xf32, #tpu.memory_space<vmem>>, vector<16xf32>,
      %broadcast_in_dim3A_90 = arith.constant 0.000000e+00 : f32
      %broadcast_in_dim3A_91 = vector.broadcast %broadcast_in_dim3A_90 : f32 to vector<16xf32>
      %broadcast_in_dim3A_92 = arith.constant 0 : i32
      %broadcast_in_dim3A_93 = vector.broadcast %broadcast_in_dim3A_92 : i32 to vector<16xi32>
      %scan3A_94 = arith.constant 0 : i32
      %scan3A_95 = arith.constant 12 : i32
      %scan3A_96 = arith.addi %scan3A_94, %scan3A_95 : i32
      %scan3A_97 = arith.constant 1 : i32
      %scan3A_98:2 = scf.for %scan3A_245 = %scan3A_94 to %scan3A_96 step %scan3A_97 iter_args(%scan3A_246 = %broadcast_in_dim3A_91, %scan3A_247 = %broadcast_in_dim3A_93) -> (vector<16xf32>, vector<16xi32>)  : i32 {
        %gather3A = tpu.vector_load_idx %arg12[%add3A_6, %scan3A_247] : memref<128x96xf32, #tpu.memory_space<vmem>>[vector<16xi32>, vector<16xi32>], vector<16xf32>,
        %gather3A_248 = tpu.vector_load_idx %arg13[%add3A_6, %scan3A_247] : memref<128x96xf32, #tpu.memory_space<vmem>>[vector<16xi32>, vector<16xi32>], vector<16xf32>,
        %sub3A = arith.subf %gather3A, %gather3A_248 : vector<16xf32>
        %mul3A_249 = arith.mulf %sub3A, %sub3A : vector<16xf32>
        %add3A_250 = arith.addf %scan3A_246, %mul3A_249 : vector<16xf32>
        %add3A_251 = arith.constant 1 : i32
        %add3A_252 = vector.broadcast %add3A_251 : i32 to vector<16xi32>
        %add3A_253 = arith.addi %scan3A_247, %add3A_252 : vector<16xi32>
        %gather3A_254 = tpu.vector_load_idx %arg12[%add3A_6, %add3A_253] : memref<128x96xf32, #tpu.memory_space<vmem>>[vector<16xi32>, vector<16xi32>], vector<16xf32>,
        %gather3A_255 = tpu.vector_load_idx %arg13[%add3A_6, %add3A_253] : memref<128x96xf32, #tpu.memory_space<vmem>>[vector<16xi32>, vector<16xi32>], vector<16xf32>,
        %sub3A_256 = arith.subf %gather3A_254, %gather3A_255 : vector<16xf32>
        %mul3A_257 = arith.mulf %sub3A_256, %sub3A_256 : vector<16xf32>
        %add3A_258 = arith.addf %add3A_250, %mul3A_257 : vector<16xf32>
        %add3A_259 = arith.constant 1 : i32
        %add3A_260 = vector.broadcast %add3A_259 : i32 to vector<16xi32>
        %add3A_261 = arith.addi %add3A_253, %add3A_260 : vector<16xi32>
        %gather3A_262 = tpu.vector_load_idx %arg12[%add3A_6, %add3A_261] : memref<128x96xf32, #tpu.memory_space<vmem>>[vector<16xi32>, vector<16xi32>], vector<16xf32>,
        %gather3A_263 = tpu.vector_load_idx %arg13[%add3A_6, %add3A_261] : memref<128x96xf32, #tpu.memory_space<vmem>>[vector<16xi32>, vector<16xi32>], vector<16xf32>,
        %sub3A_264 = arith.subf %gather3A_262, %gather3A_263 : vector<16xf32>
        %mul3A_265 = arith.mulf %sub3A_264, %sub3A_264 : vector<16xf32>
        %add3A_266 = arith.addf %add3A_258, %mul3A_265 : vector<16xf32>
        %add3A_267 = arith.constant 1 : i32
        %add3A_268 = vector.broadcast %add3A_267 : i32 to vector<16xi32>
        %add3A_269 = arith.addi %add3A_261, %add3A_268 : vector<16xi32>
        %gather3A_270 = tpu.vector_load_idx %arg12[%add3A_6, %add3A_269] : memref<128x96xf32, #tpu.memory_space<vmem>>[vector<16xi32>, vector<16xi32>], vector<16xf32>,
        %gather3A_271 = tpu.vector_load_idx %arg13[%add3A_6, %add3A_269] : memref<128x96xf32, #tpu.memory_space<vmem>>[vector<16xi32>, vector<16xi32>], vector<16xf32>,
        %sub3A_272 = arith.subf %gather3A_270, %gather3A_271 : vector<16xf32>
        %mul3A_273 = arith.mulf %sub3A_272, %sub3A_272 : vector<16xf32>
        %add3A_274 = arith.addf %add3A_266, %mul3A_273 : vector<16xf32>
        %add3A_275 = arith.constant 1 : i32
        %add3A_276 = vector.broadcast %add3A_275 : i32 to vector<16xi32>
        %add3A_277 = arith.addi %add3A_269, %add3A_276 : vector<16xi32>
        %gather3A_278 = tpu.vector_load_idx %arg12[%add3A_6, %add3A_277] : memref<128x96xf32, #tpu.memory_space<vmem>>[vector<16xi32>, vector<16xi32>], vector<16xf32>,
        %gather3A_279 = tpu.vector_load_idx %arg13[%add3A_6, %add3A_277] : memref<128x96xf32, #tpu.memory_space<vmem>>[vector<16xi32>, vector<16xi32>], vector<16xf32>,
        %sub3A_280 = arith.subf %gather3A_278, %gather3A_279 : vector<16xf32>
        %mul3A_281 = arith.mulf %sub3A_280, %sub3A_280 : vector<16xf32>
        %add3A_282 = arith.addf %add3A_274, %mul3A_281 : vector<16xf32>
        %add3A_283 = arith.constant 1 : i32
        %add3A_284 = vector.broadcast %add3A_283 : i32 to vector<16xi32>
        %add3A_285 = arith.addi %add3A_277, %add3A_284 : vector<16xi32>
        %gather3A_286 = tpu.vector_load_idx %arg12[%add3A_6, %add3A_285] : memref<128x96xf32, #tpu.memory_space<vmem>>[vector<16xi32>, vector<16xi32>], vector<16xf32>,
        %gather3A_287 = tpu.vector_load_idx %arg13[%add3A_6, %add3A_285] : memref<128x96xf32, #tpu.memory_space<vmem>>[vector<16xi32>, vector<16xi32>], vector<16xf32>,
        %sub3A_288 = arith.subf %gather3A_286, %gather3A_287 : vector<16xf32>
        %mul3A_289 = arith.mulf %sub3A_288, %sub3A_288 : vector<16xf32>
        %add3A_290 = arith.addf %add3A_282, %mul3A_289 : vector<16xf32>
        %add3A_291 = arith.constant 1 : i32
        %add3A_292 = vector.broadcast %add3A_291 : i32 to vector<16xi32>
        %add3A_293 = arith.addi %add3A_285, %add3A_292 : vector<16xi32>
        %gather3A_294 = tpu.vector_load_idx %arg12[%add3A_6, %add3A_293] : memref<128x96xf32, #tpu.memory_space<vmem>>[vector<16xi32>, vector<16xi32>], vector<16xf32>,
        %gather3A_295 = tpu.vector_load_idx %arg13[%add3A_6, %add3A_293] : memref<128x96xf32, #tpu.memory_space<vmem>>[vector<16xi32>, vector<16xi32>], vector<16xf32>,
        %sub3A_296 = arith.subf %gather3A_294, %gather3A_295 : vector<16xf32>
        %mul3A_297 = arith.mulf %sub3A_296, %sub3A_296 : vector<16xf32>
        %add3A_298 = arith.addf %add3A_290, %mul3A_297 : vector<16xf32>
        %add3A_299 = arith.constant 1 : i32
        %add3A_300 = vector.broadcast %add3A_299 : i32 to vector<16xi32>
        %add3A_301 = arith.addi %add3A_293, %add3A_300 : vector<16xi32>
        %gather3A_302 = tpu.vector_load_idx %arg12[%add3A_6, %add3A_301] : memref<128x96xf32, #tpu.memory_space<vmem>>[vector<16xi32>, vector<16xi32>], vector<16xf32>,
        %gather3A_303 = tpu.vector_load_idx %arg13[%add3A_6, %add3A_301] : memref<128x96xf32, #tpu.memory_space<vmem>>[vector<16xi32>, vector<16xi32>], vector<16xf32>,
        %sub3A_304 = arith.subf %gather3A_302, %gather3A_303 : vector<16xf32>
        %mul3A_305 = arith.mulf %sub3A_304, %sub3A_304 : vector<16xf32>
        %add3A_306 = arith.addf %add3A_298, %mul3A_305 : vector<16xf32>
        %add3A_307 = arith.constant 1 : i32
        %add3A_308 = vector.broadcast %add3A_307 : i32 to vector<16xi32>
        %add3A_309 = arith.addi %add3A_301, %add3A_308 : vector<16xi32>
        scf.yield %add3A_306, %add3A_309 : vector<16xf32>, vector<16xi32>
      }
      %scan3A_99 = arith.constant 12 : i32
      %neg3A_100 = arith.constant 0.000000e+00 : f32
      %neg3A_101 = vector.broadcast %neg3A_100 : f32 to vector<16xf32>
      %neg3A_102 = arith.subf %neg3A_101, %scan3A_98#0 : vector<16xf32>
      %exp3A_103 = math.exp %neg3A_102 : vector<16xf32>
      %get3A_104 = arith.constant 16 : index
      %get3A_105 = tpu.vector_load %arg14[%get3A_104] {strides = array<i32>} : memref<128xf32, #tpu.memory_space<vmem>>, vector<16xf32>,
      %swap3A_106 = arith.constant 16 : index
      %swap3A_107 = tpu.vector_load %arg15[%swap3A_106] {strides = array<i32>} : memref<128xf32, #tpu.memory_space<vmem>>, vector<16xf32>,
      tpu.vector_store %arg15[%swap3A_106], %exp3A_103 {strides = array<i32>} : memref<128xf32, #tpu.memory_space<vmem>>, vector<16xf32>,
      %mul3A_108 = arith.mulf %exp3A_103, %get3A_105 : vector<16xf32>
      %swap3A_109 = arith.constant 16 : index
      %swap3A_110 = tpu.vector_load %arg16[%swap3A_109] {strides = array<i32>} : memref<128xf32, #tpu.memory_space<vmem>>, vector<16xf32>,
      tpu.vector_store %arg16[%swap3A_109], %mul3A_108 {strides = array<i32>} : memref<128xf32, #tpu.memory_space<vmem>>, vector<16xf32>,
      %broadcast_in_dim3A_111 = arith.constant 0.000000e+00 : f32
      %broadcast_in_dim3A_112 = vector.broadcast %broadcast_in_dim3A_111 : f32 to vector<16xf32>
      %broadcast_in_dim3A_113 = arith.constant 0 : i32
      %broadcast_in_dim3A_114 = vector.broadcast %broadcast_in_dim3A_113 : i32 to vector<16xi32>
      %scan3A_115 = arith.constant 0 : i32
      %scan3A_116 = arith.constant 12 : i32
      %scan3A_117 = arith.addi %scan3A_115, %scan3A_116 : i32
      %scan3A_118 = arith.constant 1 : i32
      %scan3A_119:2 = scf.for %scan3A_245 = %scan3A_115 to %scan3A_117 step %scan3A_118 iter_args(%scan3A_246 = %broadcast_in_dim3A_112, %scan3A_247 = %broadcast_in_dim3A_114) -> (vector<16xf32>, vector<16xi32>)  : i32 {
        %gather3A = tpu.vector_load_idx %arg12[%add3A_10, %scan3A_247] : memref<128x96xf32, #tpu.memory_space<vmem>>[vector<16xi32>, vector<16xi32>], vector<16xf32>,
        %gather3A_248 = tpu.vector_load_idx %arg13[%add3A_10, %scan3A_247] : memref<128x96xf32, #tpu.memory_space<vmem>>[vector<16xi32>, vector<16xi32>], vector<16xf32>,
        %sub3A = arith.subf %gather3A, %gather3A_248 : vector<16xf32>
        %mul3A_249 = arith.mulf %sub3A, %sub3A : vector<16xf32>
        %add3A_250 = arith.addf %scan3A_246, %mul3A_249 : vector<16xf32>
        %add3A_251 = arith.constant 1 : i32
        %add3A_252 = vector.broadcast %add3A_251 : i32 to vector<16xi32>
        %add3A_253 = arith.addi %scan3A_247, %add3A_252 : vector<16xi32>
        %gather3A_254 = tpu.vector_load_idx %arg12[%add3A_10, %add3A_253] : memref<128x96xf32, #tpu.memory_space<vmem>>[vector<16xi32>, vector<16xi32>], vector<16xf32>,
        %gather3A_255 = tpu.vector_load_idx %arg13[%add3A_10, %add3A_253] : memref<128x96xf32, #tpu.memory_space<vmem>>[vector<16xi32>, vector<16xi32>], vector<16xf32>,
        %sub3A_256 = arith.subf %gather3A_254, %gather3A_255 : vector<16xf32>
        %mul3A_257 = arith.mulf %sub3A_256, %sub3A_256 : vector<16xf32>
        %add3A_258 = arith.addf %add3A_250, %mul3A_257 : vector<16xf32>
        %add3A_259 = arith.constant 1 : i32
        %add3A_260 = vector.broadcast %add3A_259 : i32 to vector<16xi32>
        %add3A_261 = arith.addi %add3A_253, %add3A_260 : vector<16xi32>
        %gather3A_262 = tpu.vector_load_idx %arg12[%add3A_10, %add3A_261] : memref<128x96xf32, #tpu.memory_space<vmem>>[vector<16xi32>, vector<16xi32>], vector<16xf32>,
        %gather3A_263 = tpu.vector_load_idx %arg13[%add3A_10, %add3A_261] : memref<128x96xf32, #tpu.memory_space<vmem>>[vector<16xi32>, vector<16xi32>], vector<16xf32>,
        %sub3A_264 = arith.subf %gather3A_262, %gather3A_263 : vector<16xf32>
        %mul3A_265 = arith.mulf %sub3A_264, %sub3A_264 : vector<16xf32>
        %add3A_266 = arith.addf %add3A_258, %mul3A_265 : vector<16xf32>
        %add3A_267 = arith.constant 1 : i32
        %add3A_268 = vector.broadcast %add3A_267 : i32 to vector<16xi32>
        %add3A_269 = arith.addi %add3A_261, %add3A_268 : vector<16xi32>
        %gather3A_270 = tpu.vector_load_idx %arg12[%add3A_10, %add3A_269] : memref<128x96xf32, #tpu.memory_space<vmem>>[vector<16xi32>, vector<16xi32>], vector<16xf32>,
        %gather3A_271 = tpu.vector_load_idx %arg13[%add3A_10, %add3A_269] : memref<128x96xf32, #tpu.memory_space<vmem>>[vector<16xi32>, vector<16xi32>], vector<16xf32>,
        %sub3A_272 = arith.subf %gather3A_270, %gather3A_271 : vector<16xf32>
        %mul3A_273 = arith.mulf %sub3A_272, %sub3A_272 : vector<16xf32>
        %add3A_274 = arith.addf %add3A_266, %mul3A_273 : vector<16xf32>
        %add3A_275 = arith.constant 1 : i32
        %add3A_276 = vector.broadcast %add3A_275 : i32 to vector<16xi32>
        %add3A_277 = arith.addi %add3A_269, %add3A_276 : vector<16xi32>
        %gather3A_278 = tpu.vector_load_idx %arg12[%add3A_10, %add3A_277] : memref<128x96xf32, #tpu.memory_space<vmem>>[vector<16xi32>, vector<16xi32>], vector<16xf32>,
        %gather3A_279 = tpu.vector_load_idx %arg13[%add3A_10, %add3A_277] : memref<128x96xf32, #tpu.memory_space<vmem>>[vector<16xi32>, vector<16xi32>], vector<16xf32>,
        %sub3A_280 = arith.subf %gather3A_278, %gather3A_279 : vector<16xf32>
        %mul3A_281 = arith.mulf %sub3A_280, %sub3A_280 : vector<16xf32>
        %add3A_282 = arith.addf %add3A_274, %mul3A_281 : vector<16xf32>
        %add3A_283 = arith.constant 1 : i32
        %add3A_284 = vector.broadcast %add3A_283 : i32 to vector<16xi32>
        %add3A_285 = arith.addi %add3A_277, %add3A_284 : vector<16xi32>
        %gather3A_286 = tpu.vector_load_idx %arg12[%add3A_10, %add3A_285] : memref<128x96xf32, #tpu.memory_space<vmem>>[vector<16xi32>, vector<16xi32>], vector<16xf32>,
        %gather3A_287 = tpu.vector_load_idx %arg13[%add3A_10, %add3A_285] : memref<128x96xf32, #tpu.memory_space<vmem>>[vector<16xi32>, vector<16xi32>], vector<16xf32>,
        %sub3A_288 = arith.subf %gather3A_286, %gather3A_287 : vector<16xf32>
        %mul3A_289 = arith.mulf %sub3A_288, %sub3A_288 : vector<16xf32>
        %add3A_290 = arith.addf %add3A_282, %mul3A_289 : vector<16xf32>
        %add3A_291 = arith.constant 1 : i32
        %add3A_292 = vector.broadcast %add3A_291 : i32 to vector<16xi32>
        %add3A_293 = arith.addi %add3A_285, %add3A_292 : vector<16xi32>
        %gather3A_294 = tpu.vector_load_idx %arg12[%add3A_10, %add3A_293] : memref<128x96xf32, #tpu.memory_space<vmem>>[vector<16xi32>, vector<16xi32>], vector<16xf32>,
        %gather3A_295 = tpu.vector_load_idx %arg13[%add3A_10, %add3A_293] : memref<128x96xf32, #tpu.memory_space<vmem>>[vector<16xi32>, vector<16xi32>], vector<16xf32>,
        %sub3A_296 = arith.subf %gather3A_294, %gather3A_295 : vector<16xf32>
        %mul3A_297 = arith.mulf %sub3A_296, %sub3A_296 : vector<16xf32>
        %add3A_298 = arith.addf %add3A_290, %mul3A_297 : vector<16xf32>
        %add3A_299 = arith.constant 1 : i32
        %add3A_300 = vector.broadcast %add3A_299 : i32 to vector<16xi32>
        %add3A_301 = arith.addi %add3A_293, %add3A_300 : vector<16xi32>
        %gather3A_302 = tpu.vector_load_idx %arg12[%add3A_10, %add3A_301] : memref<128x96xf32, #tpu.memory_space<vmem>>[vector<16xi32>, vector<16xi32>], vector<16xf32>,
        %gather3A_303 = tpu.vector_load_idx %arg13[%add3A_10, %add3A_301] : memref<128x96xf32, #tpu.memory_space<vmem>>[vector<16xi32>, vector<16xi32>], vector<16xf32>,
        %sub3A_304 = arith.subf %gather3A_302, %gather3A_303 : vector<16xf32>
        %mul3A_305 = arith.mulf %sub3A_304, %sub3A_304 : vector<16xf32>
        %add3A_306 = arith.addf %add3A_298, %mul3A_305 : vector<16xf32>
        %add3A_307 = arith.constant 1 : i32
        %add3A_308 = vector.broadcast %add3A_307 : i32 to vector<16xi32>
        %add3A_309 = arith.addi %add3A_301, %add3A_308 : vector<16xi32>
        scf.yield %add3A_306, %add3A_309 : vector<16xf32>, vector<16xi32>
      }
      %scan3A_120 = arith.constant 12 : i32
      %neg3A_121 = arith.constant 0.000000e+00 : f32
      %neg3A_122 = vector.broadcast %neg3A_121 : f32 to vector<16xf32>
      %neg3A_123 = arith.subf %neg3A_122, %scan3A_119#0 : vector<16xf32>
      %exp3A_124 = math.exp %neg3A_123 : vector<16xf32>
      %get3A_125 = arith.constant 32 : index
      %get3A_126 = tpu.vector_load %arg14[%get3A_125] {strides = array<i32>} : memref<128xf32, #tpu.memory_space<vmem>>, vector<16xf32>,
      %swap3A_127 = arith.constant 32 : index
      %swap3A_128 = tpu.vector_load %arg15[%swap3A_127] {strides = array<i32>} : memref<128xf32, #tpu.memory_space<vmem>>, vector<16xf32>,
      tpu.vector_store %arg15[%swap3A_127], %exp3A_124 {strides = array<i32>} : memref<128xf32, #tpu.memory_space<vmem>>, vector<16xf32>,
      %mul3A_129 = arith.mulf %exp3A_124, %get3A_126 : vector<16xf32>
      %swap3A_130 = arith.constant 32 : index
      %swap3A_131 = tpu.vector_load %arg16[%swap3A_130] {strides = array<i32>} : memref<128xf32, #tpu.memory_space<vmem>>, vector<16xf32>,
      tpu.vector_store %arg16[%swap3A_130], %mul3A_129 {strides = array<i32>} : memref<128xf32, #tpu.memory_space<vmem>>, vector<16xf32>,
      %broadcast_in_dim3A_132 = arith.constant 0.000000e+00 : f32
      %broadcast_in_dim3A_133 = vector.broadcast %broadcast_in_dim3A_132 : f32 to vector<16xf32>
      %broadcast_in_dim3A_134 = arith.constant 0 : i32
      %broadcast_in_dim3A_135 = vector.broadcast %broadcast_in_dim3A_134 : i32 to vector<16xi32>
      %scan3A_136 = arith.constant 0 : i32
      %scan3A_137 = arith.constant 12 : i32
      %scan3A_138 = arith.addi %scan3A_136, %scan3A_137 : i32
      %scan3A_139 = arith.constant 1 : i32
      %scan3A_140:2 = scf.for %scan3A_245 = %scan3A_136 to %scan3A_138 step %scan3A_139 iter_args(%scan3A_246 = %broadcast_in_dim3A_133, %scan3A_247 = %broadcast_in_dim3A_135) -> (vector<16xf32>, vector<16xi32>)  : i32 {
        %gather3A = tpu.vector_load_idx %arg12[%add3A_14, %scan3A_247] : memref<128x96xf32, #tpu.memory_space<vmem>>[vector<16xi32>, vector<16xi32>], vector<16xf32>,
        %gather3A_248 = tpu.vector_load_idx %arg13[%add3A_14, %scan3A_247] : memref<128x96xf32, #tpu.memory_space<vmem>>[vector<16xi32>, vector<16xi32>], vector<16xf32>,
        %sub3A = arith.subf %gather3A, %gather3A_248 : vector<16xf32>
        %mul3A_249 = arith.mulf %sub3A, %sub3A : vector<16xf32>
        %add3A_250 = arith.addf %scan3A_246, %mul3A_249 : vector<16xf32>
        %add3A_251 = arith.constant 1 : i32
        %add3A_252 = vector.broadcast %add3A_251 : i32 to vector<16xi32>
        %add3A_253 = arith.addi %scan3A_247, %add3A_252 : vector<16xi32>
        %gather3A_254 = tpu.vector_load_idx %arg12[%add3A_14, %add3A_253] : memref<128x96xf32, #tpu.memory_space<vmem>>[vector<16xi32>, vector<16xi32>], vector<16xf32>,
        %gather3A_255 = tpu.vector_load_idx %arg13[%add3A_14, %add3A_253] : memref<128x96xf32, #tpu.memory_space<vmem>>[vector<16xi32>, vector<16xi32>], vector<16xf32>,
        %sub3A_256 = arith.subf %gather3A_254, %gather3A_255 : vector<16xf32>
        %mul3A_257 = arith.mulf %sub3A_256, %sub3A_256 : vector<16xf32>
        %add3A_258 = arith.addf %add3A_250, %mul3A_257 : vector<16xf32>
        %add3A_259 = arith.constant 1 : i32
        %add3A_260 = vector.broadcast %add3A_259 : i32 to vector<16xi32>
        %add3A_261 = arith.addi %add3A_253, %add3A_260 : vector<16xi32>
        %gather3A_262 = tpu.vector_load_idx %arg12[%add3A_14, %add3A_261] : memref<128x96xf32, #tpu.memory_space<vmem>>[vector<16xi32>, vector<16xi32>], vector<16xf32>,
        %gather3A_263 = tpu.vector_load_idx %arg13[%add3A_14, %add3A_261] : memref<128x96xf32, #tpu.memory_space<vmem>>[vector<16xi32>, vector<16xi32>], vector<16xf32>,
        %sub3A_264 = arith.subf %gather3A_262, %gather3A_263 : vector<16xf32>
        %mul3A_265 = arith.mulf %sub3A_264, %sub3A_264 : vector<16xf32>
        %add3A_266 = arith.addf %add3A_258, %mul3A_265 : vector<16xf32>
        %add3A_267 = arith.constant 1 : i32
        %add3A_268 = vector.broadcast %add3A_267 : i32 to vector<16xi32>
        %add3A_269 = arith.addi %add3A_261, %add3A_268 : vector<16xi32>
        %gather3A_270 = tpu.vector_load_idx %arg12[%add3A_14, %add3A_269] : memref<128x96xf32, #tpu.memory_space<vmem>>[vector<16xi32>, vector<16xi32>], vector<16xf32>,
        %gather3A_271 = tpu.vector_load_idx %arg13[%add3A_14, %add3A_269] : memref<128x96xf32, #tpu.memory_space<vmem>>[vector<16xi32>, vector<16xi32>], vector<16xf32>,
        %sub3A_272 = arith.subf %gather3A_270, %gather3A_271 : vector<16xf32>
        %mul3A_273 = arith.mulf %sub3A_272, %sub3A_272 : vector<16xf32>
        %add3A_274 = arith.addf %add3A_266, %mul3A_273 : vector<16xf32>
        %add3A_275 = arith.constant 1 : i32
        %add3A_276 = vector.broadcast %add3A_275 : i32 to vector<16xi32>
        %add3A_277 = arith.addi %add3A_269, %add3A_276 : vector<16xi32>
        %gather3A_278 = tpu.vector_load_idx %arg12[%add3A_14, %add3A_277] : memref<128x96xf32, #tpu.memory_space<vmem>>[vector<16xi32>, vector<16xi32>], vector<16xf32>,
        %gather3A_279 = tpu.vector_load_idx %arg13[%add3A_14, %add3A_277] : memref<128x96xf32, #tpu.memory_space<vmem>>[vector<16xi32>, vector<16xi32>], vector<16xf32>,
        %sub3A_280 = arith.subf %gather3A_278, %gather3A_279 : vector<16xf32>
        %mul3A_281 = arith.mulf %sub3A_280, %sub3A_280 : vector<16xf32>
        %add3A_282 = arith.addf %add3A_274, %mul3A_281 : vector<16xf32>
        %add3A_283 = arith.constant 1 : i32
        %add3A_284 = vector.broadcast %add3A_283 : i32 to vector<16xi32>
        %add3A_285 = arith.addi %add3A_277, %add3A_284 : vector<16xi32>
        %gather3A_286 = tpu.vector_load_idx %arg12[%add3A_14, %add3A_285] : memref<128x96xf32, #tpu.memory_space<vmem>>[vector<16xi32>, vector<16xi32>], vector<16xf32>,
        %gather3A_287 = tpu.vector_load_idx %arg13[%add3A_14, %add3A_285] : memref<128x96xf32, #tpu.memory_space<vmem>>[vector<16xi32>, vector<16xi32>], vector<16xf32>,
        %sub3A_288 = arith.subf %gather3A_286, %gather3A_287 : vector<16xf32>
        %mul3A_289 = arith.mulf %sub3A_288, %sub3A_288 : vector<16xf32>
        %add3A_290 = arith.addf %add3A_282, %mul3A_289 : vector<16xf32>
        %add3A_291 = arith.constant 1 : i32
        %add3A_292 = vector.broadcast %add3A_291 : i32 to vector<16xi32>
        %add3A_293 = arith.addi %add3A_285, %add3A_292 : vector<16xi32>
        %gather3A_294 = tpu.vector_load_idx %arg12[%add3A_14, %add3A_293] : memref<128x96xf32, #tpu.memory_space<vmem>>[vector<16xi32>, vector<16xi32>], vector<16xf32>,
        %gather3A_295 = tpu.vector_load_idx %arg13[%add3A_14, %add3A_293] : memref<128x96xf32, #tpu.memory_space<vmem>>[vector<16xi32>, vector<16xi32>], vector<16xf32>,
        %sub3A_296 = arith.subf %gather3A_294, %gather3A_295 : vector<16xf32>
        %mul3A_297 = arith.mulf %sub3A_296, %sub3A_296 : vector<16xf32>
        %add3A_298 = arith.addf %add3A_290, %mul3A_297 : vector<16xf32>
        %add3A_299 = arith.constant 1 : i32
        %add3A_300 = vector.broadcast %add3A_299 : i32 to vector<16xi32>
        %add3A_301 = arith.addi %add3A_293, %add3A_300 : vector<16xi32>
        %gather3A_302 = tpu.vector_load_idx %arg12[%add3A_14, %add3A_301] : memref<128x96xf32, #tpu.memory_space<vmem>>[vector<16xi32>, vector<16xi32>], vector<16xf32>,
        %gather3A_303 = tpu.vector_load_idx %arg13[%add3A_14, %add3A_301] : memref<128x96xf32, #tpu.memory_space<vmem>>[vector<16xi32>, vector<16xi32>], vector<16xf32>,
        %sub3A_304 = arith.subf %gather3A_302, %gather3A_303 : vector<16xf32>
        %mul3A_305 = arith.mulf %sub3A_304, %sub3A_304 : vector<16xf32>
        %add3A_306 = arith.addf %add3A_298, %mul3A_305 : vector<16xf32>
        %add3A_307 = arith.constant 1 : i32
        %add3A_308 = vector.broadcast %add3A_307 : i32 to vector<16xi32>
        %add3A_309 = arith.addi %add3A_301, %add3A_308 : vector<16xi32>
        scf.yield %add3A_306, %add3A_309 : vector<16xf32>, vector<16xi32>
      }
      %scan3A_141 = arith.constant 12 : i32
      %neg3A_142 = arith.constant 0.000000e+00 : f32
      %neg3A_143 = vector.broadcast %neg3A_142 : f32 to vector<16xf32>
      %neg3A_144 = arith.subf %neg3A_143, %scan3A_140#0 : vector<16xf32>
      %exp3A_145 = math.exp %neg3A_144 : vector<16xf32>
      %get3A_146 = arith.constant 48 : index
      %get3A_147 = tpu.vector_load %arg14[%get3A_146] {strides = array<i32>} : memref<128xf32, #tpu.memory_space<vmem>>, vector<16xf32>,
      %swap3A_148 = arith.constant 48 : index
      %swap3A_149 = tpu.vector_load %arg15[%swap3A_148] {strides = array<i32>} : memref<128xf32, #tpu.memory_space<vmem>>, vector<16xf32>,
      tpu.vector_store %arg15[%swap3A_148], %exp3A_145 {strides = array<i32>} : memref<128xf32, #tpu.memory_space<vmem>>, vector<16xf32>,
      %mul3A_150 = arith.mulf %exp3A_145, %get3A_147 : vector<16xf32>
      %swap3A_151 = arith.constant 48 : index
      %swap3A_152 = tpu.vector_load %arg16[%swap3A_151] {strides = array<i32>} : memref<128xf32, #tpu.memory_space<vmem>>, vector<16xf32>,
      tpu.vector_store %arg16[%swap3A_151], %mul3A_150 {strides = array<i32>} : memref<128xf32, #tpu.memory_space<vmem>>, vector<16xf32>,
      %broadcast_in_dim3A_153 = arith.constant 0.000000e+00 : f32
      %broadcast_in_dim3A_154 = vector.broadcast %broadcast_in_dim3A_153 : f32 to vector<16xf32>
      %broadcast_in_dim3A_155 = arith.constant 0 : i32
      %broadcast_in_dim3A_156 = vector.broadcast %broadcast_in_dim3A_155 : i32 to vector<16xi32>
      %scan3A_157 = arith.constant 0 : i32
      %scan3A_158 = arith.constant 12 : i32
      %scan3A_159 = arith.addi %scan3A_157, %scan3A_158 : i32
      %scan3A_160 = arith.constant 1 : i32
      %scan3A_161:2 = scf.for %scan3A_245 = %scan3A_157 to %scan3A_159 step %scan3A_160 iter_args(%scan3A_246 = %broadcast_in_dim3A_154, %scan3A_247 = %broadcast_in_dim3A_156) -> (vector<16xf32>, vector<16xi32>)  : i32 {
        %gather3A = tpu.vector_load_idx %arg12[%add3A_18, %scan3A_247] : memref<128x96xf32, #tpu.memory_space<vmem>>[vector<16xi32>, vector<16xi32>], vector<16xf32>,
        %gather3A_248 = tpu.vector_load_idx %arg13[%add3A_18, %scan3A_247] : memref<128x96xf32, #tpu.memory_space<vmem>>[vector<16xi32>, vector<16xi32>], vector<16xf32>,
        %sub3A = arith.subf %gather3A, %gather3A_248 : vector<16xf32>
        %mul3A_249 = arith.mulf %sub3A, %sub3A : vector<16xf32>
        %add3A_250 = arith.addf %scan3A_246, %mul3A_249 : vector<16xf32>
        %add3A_251 = arith.constant 1 : i32
        %add3A_252 = vector.broadcast %add3A_251 : i32 to vector<16xi32>
        %add3A_253 = arith.addi %scan3A_247, %add3A_252 : vector<16xi32>
        %gather3A_254 = tpu.vector_load_idx %arg12[%add3A_18, %add3A_253] : memref<128x96xf32, #tpu.memory_space<vmem>>[vector<16xi32>, vector<16xi32>], vector<16xf32>,
        %gather3A_255 = tpu.vector_load_idx %arg13[%add3A_18, %add3A_253] : memref<128x96xf32, #tpu.memory_space<vmem>>[vector<16xi32>, vector<16xi32>], vector<16xf32>,
        %sub3A_256 = arith.subf %gather3A_254, %gather3A_255 : vector<16xf32>
        %mul3A_257 = arith.mulf %sub3A_256, %sub3A_256 : vector<16xf32>
        %add3A_258 = arith.addf %add3A_250, %mul3A_257 : vector<16xf32>
        %add3A_259 = arith.constant 1 : i32
        %add3A_260 = vector.broadcast %add3A_259 : i32 to vector<16xi32>
        %add3A_261 = arith.addi %add3A_253, %add3A_260 : vector<16xi32>
        %gather3A_262 = tpu.vector_load_idx %arg12[%add3A_18, %add3A_261] : memref<128x96xf32, #tpu.memory_space<vmem>>[vector<16xi32>, vector<16xi32>], vector<16xf32>,
        %gather3A_263 = tpu.vector_load_idx %arg13[%add3A_18, %add3A_261] : memref<128x96xf32, #tpu.memory_space<vmem>>[vector<16xi32>, vector<16xi32>], vector<16xf32>,
        %sub3A_264 = arith.subf %gather3A_262, %gather3A_263 : vector<16xf32>
        %mul3A_265 = arith.mulf %sub3A_264, %sub3A_264 : vector<16xf32>
        %add3A_266 = arith.addf %add3A_258, %mul3A_265 : vector<16xf32>
        %add3A_267 = arith.constant 1 : i32
        %add3A_268 = vector.broadcast %add3A_267 : i32 to vector<16xi32>
        %add3A_269 = arith.addi %add3A_261, %add3A_268 : vector<16xi32>
        %gather3A_270 = tpu.vector_load_idx %arg12[%add3A_18, %add3A_269] : memref<128x96xf32, #tpu.memory_space<vmem>>[vector<16xi32>, vector<16xi32>], vector<16xf32>,
        %gather3A_271 = tpu.vector_load_idx %arg13[%add3A_18, %add3A_269] : memref<128x96xf32, #tpu.memory_space<vmem>>[vector<16xi32>, vector<16xi32>], vector<16xf32>,
        %sub3A_272 = arith.subf %gather3A_270, %gather3A_271 : vector<16xf32>
        %mul3A_273 = arith.mulf %sub3A_272, %sub3A_272 : vector<16xf32>
        %add3A_274 = arith.addf %add3A_266, %mul3A_273 : vector<16xf32>
        %add3A_275 = arith.constant 1 : i32
        %add3A_276 = vector.broadcast %add3A_275 : i32 to vector<16xi32>
        %add3A_277 = arith.addi %add3A_269, %add3A_276 : vector<16xi32>
        %gather3A_278 = tpu.vector_load_idx %arg12[%add3A_18, %add3A_277] : memref<128x96xf32, #tpu.memory_space<vmem>>[vector<16xi32>, vector<16xi32>], vector<16xf32>,
        %gather3A_279 = tpu.vector_load_idx %arg13[%add3A_18, %add3A_277] : memref<128x96xf32, #tpu.memory_space<vmem>>[vector<16xi32>, vector<16xi32>], vector<16xf32>,
        %sub3A_280 = arith.subf %gather3A_278, %gather3A_279 : vector<16xf32>
        %mul3A_281 = arith.mulf %sub3A_280, %sub3A_280 : vector<16xf32>
        %add3A_282 = arith.addf %add3A_274, %mul3A_281 : vector<16xf32>
        %add3A_283 = arith.constant 1 : i32
        %add3A_284 = vector.broadcast %add3A_283 : i32 to vector<16xi32>
        %add3A_285 = arith.addi %add3A_277, %add3A_284 : vector<16xi32>
        %gather3A_286 = tpu.vector_load_idx %arg12[%add3A_18, %add3A_285] : memref<128x96xf32, #tpu.memory_space<vmem>>[vector<16xi32>, vector<16xi32>], vector<16xf32>,
        %gather3A_287 = tpu.vector_load_idx %arg13[%add3A_18, %add3A_285] : memref<128x96xf32, #tpu.memory_space<vmem>>[vector<16xi32>, vector<16xi32>], vector<16xf32>,
        %sub3A_288 = arith.subf %gather3A_286, %gather3A_287 : vector<16xf32>
        %mul3A_289 = arith.mulf %sub3A_288, %sub3A_288 : vector<16xf32>
        %add3A_290 = arith.addf %add3A_282, %mul3A_289 : vector<16xf32>
        %add3A_291 = arith.constant 1 : i32
        %add3A_292 = vector.broadcast %add3A_291 : i32 to vector<16xi32>
        %add3A_293 = arith.addi %add3A_285, %add3A_292 : vector<16xi32>
        %gather3A_294 = tpu.vector_load_idx %arg12[%add3A_18, %add3A_293] : memref<128x96xf32, #tpu.memory_space<vmem>>[vector<16xi32>, vector<16xi32>], vector<16xf32>,
        %gather3A_295 = tpu.vector_load_idx %arg13[%add3A_18, %add3A_293] : memref<128x96xf32, #tpu.memory_space<vmem>>[vector<16xi32>, vector<16xi32>], vector<16xf32>,
        %sub3A_296 = arith.subf %gather3A_294, %gather3A_295 : vector<16xf32>
        %mul3A_297 = arith.mulf %sub3A_296, %sub3A_296 : vector<16xf32>
        %add3A_298 = arith.addf %add3A_290, %mul3A_297 : vector<16xf32>
        %add3A_299 = arith.constant 1 : i32
        %add3A_300 = vector.broadcast %add3A_299 : i32 to vector<16xi32>
        %add3A_301 = arith.addi %add3A_293, %add3A_300 : vector<16xi32>
        %gather3A_302 = tpu.vector_load_idx %arg12[%add3A_18, %add3A_301] : memref<128x96xf32, #tpu.memory_space<vmem>>[vector<16xi32>, vector<16xi32>], vector<16xf32>,
        %gather3A_303 = tpu.vector_load_idx %arg13[%add3A_18, %add3A_301] : memref<128x96xf32, #tpu.memory_space<vmem>>[vector<16xi32>, vector<16xi32>], vector<16xf32>,
        %sub3A_304 = arith.subf %gather3A_302, %gather3A_303 : vector<16xf32>
        %mul3A_305 = arith.mulf %sub3A_304, %sub3A_304 : vector<16xf32>
        %add3A_306 = arith.addf %add3A_298, %mul3A_305 : vector<16xf32>
        %add3A_307 = arith.constant 1 : i32
        %add3A_308 = vector.broadcast %add3A_307 : i32 to vector<16xi32>
        %add3A_309 = arith.addi %add3A_301, %add3A_308 : vector<16xi32>
        scf.yield %add3A_306, %add3A_309 : vector<16xf32>, vector<16xi32>
      }
      %scan3A_162 = arith.constant 12 : i32
      %neg3A_163 = arith.constant 0.000000e+00 : f32
      %neg3A_164 = vector.broadcast %neg3A_163 : f32 to vector<16xf32>
      %neg3A_165 = arith.subf %neg3A_164, %scan3A_161#0 : vector<16xf32>
      %exp3A_166 = math.exp %neg3A_165 : vector<16xf32>
      %get3A_167 = arith.constant 64 : index
      %get3A_168 = tpu.vector_load %arg14[%get3A_167] {strides = array<i32>} : memref<128xf32, #tpu.memory_space<vmem>>, vector<16xf32>,
      %swap3A_169 = arith.constant 64 : index
      %swap3A_170 = tpu.vector_load %arg15[%swap3A_169] {strides = array<i32>} : memref<128xf32, #tpu.memory_space<vmem>>, vector<16xf32>,
      tpu.vector_store %arg15[%swap3A_169], %exp3A_166 {strides = array<i32>} : memref<128xf32, #tpu.memory_space<vmem>>, vector<16xf32>,
      %mul3A_171 = arith.mulf %exp3A_166, %get3A_168 : vector<16xf32>
      %swap3A_172 = arith.constant 64 : index
      %swap3A_173 = tpu.vector_load %arg16[%swap3A_172] {strides = array<i32>} : memref<128xf32, #tpu.memory_space<vmem>>, vector<16xf32>,
      tpu.vector_store %arg16[%swap3A_172], %mul3A_171 {strides = array<i32>} : memref<128xf32, #tpu.memory_space<vmem>>, vector<16xf32>,
      %broadcast_in_dim3A_174 = arith.constant 0.000000e+00 : f32
      %broadcast_in_dim3A_175 = vector.broadcast %broadcast_in_dim3A_174 : f32 to vector<16xf32>
      %broadcast_in_dim3A_176 = arith.constant 0 : i32
      %broadcast_in_dim3A_177 = vector.broadcast %broadcast_in_dim3A_176 : i32 to vector<16xi32>
      %scan3A_178 = arith.constant 0 : i32
      %scan3A_179 = arith.constant 12 : i32
      %scan3A_180 = arith.addi %scan3A_178, %scan3A_179 : i32
      %scan3A_181 = arith.constant 1 : i32
      %scan3A_182:2 = scf.for %scan3A_245 = %scan3A_178 to %scan3A_180 step %scan3A_181 iter_args(%scan3A_246 = %broadcast_in_dim3A_175, %scan3A_247 = %broadcast_in_dim3A_177) -> (vector<16xf32>, vector<16xi32>)  : i32 {
        %gather3A = tpu.vector_load_idx %arg12[%add3A_22, %scan3A_247] : memref<128x96xf32, #tpu.memory_space<vmem>>[vector<16xi32>, vector<16xi32>], vector<16xf32>,
        %gather3A_248 = tpu.vector_load_idx %arg13[%add3A_22, %scan3A_247] : memref<128x96xf32, #tpu.memory_space<vmem>>[vector<16xi32>, vector<16xi32>], vector<16xf32>,
        %sub3A = arith.subf %gather3A, %gather3A_248 : vector<16xf32>
        %mul3A_249 = arith.mulf %sub3A, %sub3A : vector<16xf32>
        %add3A_250 = arith.addf %scan3A_246, %mul3A_249 : vector<16xf32>
        %add3A_251 = arith.constant 1 : i32
        %add3A_252 = vector.broadcast %add3A_251 : i32 to vector<16xi32>
        %add3A_253 = arith.addi %scan3A_247, %add3A_252 : vector<16xi32>
        %gather3A_254 = tpu.vector_load_idx %arg12[%add3A_22, %add3A_253] : memref<128x96xf32, #tpu.memory_space<vmem>>[vector<16xi32>, vector<16xi32>], vector<16xf32>,
        %gather3A_255 = tpu.vector_load_idx %arg13[%add3A_22, %add3A_253] : memref<128x96xf32, #tpu.memory_space<vmem>>[vector<16xi32>, vector<16xi32>], vector<16xf32>,
        %sub3A_256 = arith.subf %gather3A_254, %gather3A_255 : vector<16xf32>
        %mul3A_257 = arith.mulf %sub3A_256, %sub3A_256 : vector<16xf32>
        %add3A_258 = arith.addf %add3A_250, %mul3A_257 : vector<16xf32>
        %add3A_259 = arith.constant 1 : i32
        %add3A_260 = vector.broadcast %add3A_259 : i32 to vector<16xi32>
        %add3A_261 = arith.addi %add3A_253, %add3A_260 : vector<16xi32>
        %gather3A_262 = tpu.vector_load_idx %arg12[%add3A_22, %add3A_261] : memref<128x96xf32, #tpu.memory_space<vmem>>[vector<16xi32>, vector<16xi32>], vector<16xf32>,
        %gather3A_263 = tpu.vector_load_idx %arg13[%add3A_22, %add3A_261] : memref<128x96xf32, #tpu.memory_space<vmem>>[vector<16xi32>, vector<16xi32>], vector<16xf32>,
        %sub3A_264 = arith.subf %gather3A_262, %gather3A_263 : vector<16xf32>
        %mul3A_265 = arith.mulf %sub3A_264, %sub3A_264 : vector<16xf32>
        %add3A_266 = arith.addf %add3A_258, %mul3A_265 : vector<16xf32>
        %add3A_267 = arith.constant 1 : i32
        %add3A_268 = vector.broadcast %add3A_267 : i32 to vector<16xi32>
        %add3A_269 = arith.addi %add3A_261, %add3A_268 : vector<16xi32>
        %gather3A_270 = tpu.vector_load_idx %arg12[%add3A_22, %add3A_269] : memref<128x96xf32, #tpu.memory_space<vmem>>[vector<16xi32>, vector<16xi32>], vector<16xf32>,
        %gather3A_271 = tpu.vector_load_idx %arg13[%add3A_22, %add3A_269] : memref<128x96xf32, #tpu.memory_space<vmem>>[vector<16xi32>, vector<16xi32>], vector<16xf32>,
        %sub3A_272 = arith.subf %gather3A_270, %gather3A_271 : vector<16xf32>
        %mul3A_273 = arith.mulf %sub3A_272, %sub3A_272 : vector<16xf32>
        %add3A_274 = arith.addf %add3A_266, %mul3A_273 : vector<16xf32>
        %add3A_275 = arith.constant 1 : i32
        %add3A_276 = vector.broadcast %add3A_275 : i32 to vector<16xi32>
        %add3A_277 = arith.addi %add3A_269, %add3A_276 : vector<16xi32>
        %gather3A_278 = tpu.vector_load_idx %arg12[%add3A_22, %add3A_277] : memref<128x96xf32, #tpu.memory_space<vmem>>[vector<16xi32>, vector<16xi32>], vector<16xf32>,
        %gather3A_279 = tpu.vector_load_idx %arg13[%add3A_22, %add3A_277] : memref<128x96xf32, #tpu.memory_space<vmem>>[vector<16xi32>, vector<16xi32>], vector<16xf32>,
        %sub3A_280 = arith.subf %gather3A_278, %gather3A_279 : vector<16xf32>
        %mul3A_281 = arith.mulf %sub3A_280, %sub3A_280 : vector<16xf32>
        %add3A_282 = arith.addf %add3A_274, %mul3A_281 : vector<16xf32>
        %add3A_283 = arith.constant 1 : i32
        %add3A_284 = vector.broadcast %add3A_283 : i32 to vector<16xi32>
        %add3A_285 = arith.addi %add3A_277, %add3A_284 : vector<16xi32>
        %gather3A_286 = tpu.vector_load_idx %arg12[%add3A_22, %add3A_285] : memref<128x96xf32, #tpu.memory_space<vmem>>[vector<16xi32>, vector<16xi32>], vector<16xf32>,
        %gather3A_287 = tpu.vector_load_idx %arg13[%add3A_22, %add3A_285] : memref<128x96xf32, #tpu.memory_space<vmem>>[vector<16xi32>, vector<16xi32>], vector<16xf32>,
        %sub3A_288 = arith.subf %gather3A_286, %gather3A_287 : vector<16xf32>
        %mul3A_289 = arith.mulf %sub3A_288, %sub3A_288 : vector<16xf32>
        %add3A_290 = arith.addf %add3A_282, %mul3A_289 : vector<16xf32>
        %add3A_291 = arith.constant 1 : i32
        %add3A_292 = vector.broadcast %add3A_291 : i32 to vector<16xi32>
        %add3A_293 = arith.addi %add3A_285, %add3A_292 : vector<16xi32>
        %gather3A_294 = tpu.vector_load_idx %arg12[%add3A_22, %add3A_293] : memref<128x96xf32, #tpu.memory_space<vmem>>[vector<16xi32>, vector<16xi32>], vector<16xf32>,
        %gather3A_295 = tpu.vector_load_idx %arg13[%add3A_22, %add3A_293] : memref<128x96xf32, #tpu.memory_space<vmem>>[vector<16xi32>, vector<16xi32>], vector<16xf32>,
        %sub3A_296 = arith.subf %gather3A_294, %gather3A_295 : vector<16xf32>
        %mul3A_297 = arith.mulf %sub3A_296, %sub3A_296 : vector<16xf32>
        %add3A_298 = arith.addf %add3A_290, %mul3A_297 : vector<16xf32>
        %add3A_299 = arith.constant 1 : i32
        %add3A_300 = vector.broadcast %add3A_299 : i32 to vector<16xi32>
        %add3A_301 = arith.addi %add3A_293, %add3A_300 : vector<16xi32>
        %gather3A_302 = tpu.vector_load_idx %arg12[%add3A_22, %add3A_301] : memref<128x96xf32, #tpu.memory_space<vmem>>[vector<16xi32>, vector<16xi32>], vector<16xf32>,
        %gather3A_303 = tpu.vector_load_idx %arg13[%add3A_22, %add3A_301] : memref<128x96xf32, #tpu.memory_space<vmem>>[vector<16xi32>, vector<16xi32>], vector<16xf32>,
        %sub3A_304 = arith.subf %gather3A_302, %gather3A_303 : vector<16xf32>
        %mul3A_305 = arith.mulf %sub3A_304, %sub3A_304 : vector<16xf32>
        %add3A_306 = arith.addf %add3A_298, %mul3A_305 : vector<16xf32>
        %add3A_307 = arith.constant 1 : i32
        %add3A_308 = vector.broadcast %add3A_307 : i32 to vector<16xi32>
        %add3A_309 = arith.addi %add3A_301, %add3A_308 : vector<16xi32>
        scf.yield %add3A_306, %add3A_309 : vector<16xf32>, vector<16xi32>
      }
      %scan3A_183 = arith.constant 12 : i32
      %neg3A_184 = arith.constant 0.000000e+00 : f32
      %neg3A_185 = vector.broadcast %neg3A_184 : f32 to vector<16xf32>
      %neg3A_186 = arith.subf %neg3A_185, %scan3A_182#0 : vector<16xf32>
      %exp3A_187 = math.exp %neg3A_186 : vector<16xf32>
      %get3A_188 = arith.constant 80 : index
      %get3A_189 = tpu.vector_load %arg14[%get3A_188] {strides = array<i32>} : memref<128xf32, #tpu.memory_space<vmem>>, vector<16xf32>,
      %swap3A_190 = arith.constant 80 : index
      %swap3A_191 = tpu.vector_load %arg15[%swap3A_190] {strides = array<i32>} : memref<128xf32, #tpu.memory_space<vmem>>, vector<16xf32>,
      tpu.vector_store %arg15[%swap3A_190], %exp3A_187 {strides = array<i32>} : memref<128xf32, #tpu.memory_space<vmem>>, vector<16xf32>,
      %mul3A_192 = arith.mulf %exp3A_187, %get3A_189 : vector<16xf32>
      %swap3A_193 = arith.constant 80 : index
      %swap3A_194 = tpu.vector_load %arg16[%swap3A_193] {strides = array<i32>} : memref<128xf32, #tpu.memory_space<vmem>>, vector<16xf32>,
      tpu.vector_store %arg16[%swap3A_193], %mul3A_192 {strides = array<i32>} : memref<128xf32, #tpu.memory_space<vmem>>, vector<16xf32>,
      %broadcast_in_dim3A_195 = arith.constant 0.000000e+00 : f32
      %broadcast_in_dim3A_196 = vector.broadcast %broadcast_in_dim3A_195 : f32 to vector<16xf32>
      %broadcast_in_dim3A_197 = arith.constant 0 : i32
      %broadcast_in_dim3A_198 = vector.broadcast %broadcast_in_dim3A_197 : i32 to vector<16xi32>
      %scan3A_199 = arith.constant 0 : i32
      %scan3A_200 = arith.constant 12 : i32
      %scan3A_201 = arith.addi %scan3A_199, %scan3A_200 : i32
      %scan3A_202 = arith.constant 1 : i32
      %scan3A_203:2 = scf.for %scan3A_245 = %scan3A_199 to %scan3A_201 step %scan3A_202 iter_args(%scan3A_246 = %broadcast_in_dim3A_196, %scan3A_247 = %broadcast_in_dim3A_198) -> (vector<16xf32>, vector<16xi32>)  : i32 {
        %gather3A = tpu.vector_load_idx %arg12[%add3A_26, %scan3A_247] : memref<128x96xf32, #tpu.memory_space<vmem>>[vector<16xi32>, vector<16xi32>], vector<16xf32>,
        %gather3A_248 = tpu.vector_load_idx %arg13[%add3A_26, %scan3A_247] : memref<128x96xf32, #tpu.memory_space<vmem>>[vector<16xi32>, vector<16xi32>], vector<16xf32>,
        %sub3A = arith.subf %gather3A, %gather3A_248 : vector<16xf32>
        %mul3A_249 = arith.mulf %sub3A, %sub3A : vector<16xf32>
        %add3A_250 = arith.addf %scan3A_246, %mul3A_249 : vector<16xf32>
        %add3A_251 = arith.constant 1 : i32
        %add3A_252 = vector.broadcast %add3A_251 : i32 to vector<16xi32>
        %add3A_253 = arith.addi %scan3A_247, %add3A_252 : vector<16xi32>
        %gather3A_254 = tpu.vector_load_idx %arg12[%add3A_26, %add3A_253] : memref<128x96xf32, #tpu.memory_space<vmem>>[vector<16xi32>, vector<16xi32>], vector<16xf32>,
        %gather3A_255 = tpu.vector_load_idx %arg13[%add3A_26, %add3A_253] : memref<128x96xf32, #tpu.memory_space<vmem>>[vector<16xi32>, vector<16xi32>], vector<16xf32>,
        %sub3A_256 = arith.subf %gather3A_254, %gather3A_255 : vector<16xf32>
        %mul3A_257 = arith.mulf %sub3A_256, %sub3A_256 : vector<16xf32>
        %add3A_258 = arith.addf %add3A_250, %mul3A_257 : vector<16xf32>
        %add3A_259 = arith.constant 1 : i32
        %add3A_260 = vector.broadcast %add3A_259 : i32 to vector<16xi32>
        %add3A_261 = arith.addi %add3A_253, %add3A_260 : vector<16xi32>
        %gather3A_262 = tpu.vector_load_idx %arg12[%add3A_26, %add3A_261] : memref<128x96xf32, #tpu.memory_space<vmem>>[vector<16xi32>, vector<16xi32>], vector<16xf32>,
        %gather3A_263 = tpu.vector_load_idx %arg13[%add3A_26, %add3A_261] : memref<128x96xf32, #tpu.memory_space<vmem>>[vector<16xi32>, vector<16xi32>], vector<16xf32>,
        %sub3A_264 = arith.subf %gather3A_262, %gather3A_263 : vector<16xf32>
        %mul3A_265 = arith.mulf %sub3A_264, %sub3A_264 : vector<16xf32>
        %add3A_266 = arith.addf %add3A_258, %mul3A_265 : vector<16xf32>
        %add3A_267 = arith.constant 1 : i32
        %add3A_268 = vector.broadcast %add3A_267 : i32 to vector<16xi32>
        %add3A_269 = arith.addi %add3A_261, %add3A_268 : vector<16xi32>
        %gather3A_270 = tpu.vector_load_idx %arg12[%add3A_26, %add3A_269] : memref<128x96xf32, #tpu.memory_space<vmem>>[vector<16xi32>, vector<16xi32>], vector<16xf32>,
        %gather3A_271 = tpu.vector_load_idx %arg13[%add3A_26, %add3A_269] : memref<128x96xf32, #tpu.memory_space<vmem>>[vector<16xi32>, vector<16xi32>], vector<16xf32>,
        %sub3A_272 = arith.subf %gather3A_270, %gather3A_271 : vector<16xf32>
        %mul3A_273 = arith.mulf %sub3A_272, %sub3A_272 : vector<16xf32>
        %add3A_274 = arith.addf %add3A_266, %mul3A_273 : vector<16xf32>
        %add3A_275 = arith.constant 1 : i32
        %add3A_276 = vector.broadcast %add3A_275 : i32 to vector<16xi32>
        %add3A_277 = arith.addi %add3A_269, %add3A_276 : vector<16xi32>
        %gather3A_278 = tpu.vector_load_idx %arg12[%add3A_26, %add3A_277] : memref<128x96xf32, #tpu.memory_space<vmem>>[vector<16xi32>, vector<16xi32>], vector<16xf32>,
        %gather3A_279 = tpu.vector_load_idx %arg13[%add3A_26, %add3A_277] : memref<128x96xf32, #tpu.memory_space<vmem>>[vector<16xi32>, vector<16xi32>], vector<16xf32>,
        %sub3A_280 = arith.subf %gather3A_278, %gather3A_279 : vector<16xf32>
        %mul3A_281 = arith.mulf %sub3A_280, %sub3A_280 : vector<16xf32>
        %add3A_282 = arith.addf %add3A_274, %mul3A_281 : vector<16xf32>
        %add3A_283 = arith.constant 1 : i32
        %add3A_284 = vector.broadcast %add3A_283 : i32 to vector<16xi32>
        %add3A_285 = arith.addi %add3A_277, %add3A_284 : vector<16xi32>
        %gather3A_286 = tpu.vector_load_idx %arg12[%add3A_26, %add3A_285] : memref<128x96xf32, #tpu.memory_space<vmem>>[vector<16xi32>, vector<16xi32>], vector<16xf32>,
        %gather3A_287 = tpu.vector_load_idx %arg13[%add3A_26, %add3A_285] : memref<128x96xf32, #tpu.memory_space<vmem>>[vector<16xi32>, vector<16xi32>], vector<16xf32>,
        %sub3A_288 = arith.subf %gather3A_286, %gather3A_287 : vector<16xf32>
        %mul3A_289 = arith.mulf %sub3A_288, %sub3A_288 : vector<16xf32>
        %add3A_290 = arith.addf %add3A_282, %mul3A_289 : vector<16xf32>
        %add3A_291 = arith.constant 1 : i32
        %add3A_292 = vector.broadcast %add3A_291 : i32 to vector<16xi32>
        %add3A_293 = arith.addi %add3A_285, %add3A_292 : vector<16xi32>
        %gather3A_294 = tpu.vector_load_idx %arg12[%add3A_26, %add3A_293] : memref<128x96xf32, #tpu.memory_space<vmem>>[vector<16xi32>, vector<16xi32>], vector<16xf32>,
        %gather3A_295 = tpu.vector_load_idx %arg13[%add3A_26, %add3A_293] : memref<128x96xf32, #tpu.memory_space<vmem>>[vector<16xi32>, vector<16xi32>], vector<16xf32>,
        %sub3A_296 = arith.subf %gather3A_294, %gather3A_295 : vector<16xf32>
        %mul3A_297 = arith.mulf %sub3A_296, %sub3A_296 : vector<16xf32>
        %add3A_298 = arith.addf %add3A_290, %mul3A_297 : vector<16xf32>
        %add3A_299 = arith.constant 1 : i32
        %add3A_300 = vector.broadcast %add3A_299 : i32 to vector<16xi32>
        %add3A_301 = arith.addi %add3A_293, %add3A_300 : vector<16xi32>
        %gather3A_302 = tpu.vector_load_idx %arg12[%add3A_26, %add3A_301] : memref<128x96xf32, #tpu.memory_space<vmem>>[vector<16xi32>, vector<16xi32>], vector<16xf32>,
        %gather3A_303 = tpu.vector_load_idx %arg13[%add3A_26, %add3A_301] : memref<128x96xf32, #tpu.memory_space<vmem>>[vector<16xi32>, vector<16xi32>], vector<16xf32>,
        %sub3A_304 = arith.subf %gather3A_302, %gather3A_303 : vector<16xf32>
        %mul3A_305 = arith.mulf %sub3A_304, %sub3A_304 : vector<16xf32>
        %add3A_306 = arith.addf %add3A_298, %mul3A_305 : vector<16xf32>
        %add3A_307 = arith.constant 1 : i32
        %add3A_308 = vector.broadcast %add3A_307 : i32 to vector<16xi32>
        %add3A_309 = arith.addi %add3A_301, %add3A_308 : vector<16xi32>
        scf.yield %add3A_306, %add3A_309 : vector<16xf32>, vector<16xi32>
      }
      %scan3A_204 = arith.constant 12 : i32
      %neg3A_205 = arith.constant 0.000000e+00 : f32
      %neg3A_206 = vector.broadcast %neg3A_205 : f32 to vector<16xf32>
      %neg3A_207 = arith.subf %neg3A_206, %scan3A_203#0 : vector<16xf32>
      %exp3A_208 = math.exp %neg3A_207 : vector<16xf32>
      %get3A_209 = arith.constant 96 : index
      %get3A_210 = tpu.vector_load %arg14[%get3A_209] {strides = array<i32>} : memref<128xf32, #tpu.memory_space<vmem>>, vector<16xf32>,
      %swap3A_211 = arith.constant 96 : index
      %swap3A_212 = tpu.vector_load %arg15[%swap3A_211] {strides = array<i32>} : memref<128xf32, #tpu.memory_space<vmem>>, vector<16xf32>,
      tpu.vector_store %arg15[%swap3A_211], %exp3A_208 {strides = array<i32>} : memref<128xf32, #tpu.memory_space<vmem>>, vector<16xf32>,
      %mul3A_213 = arith.mulf %exp3A_208, %get3A_210 : vector<16xf32>
      %swap3A_214 = arith.constant 96 : index
      %swap3A_215 = tpu.vector_load %arg16[%swap3A_214] {strides = array<i32>} : memref<128xf32, #tpu.memory_space<vmem>>, vector<16xf32>,
      tpu.vector_store %arg16[%swap3A_214], %mul3A_213 {strides = array<i32>} : memref<128xf32, #tpu.memory_space<vmem>>, vector<16xf32>,
      %broadcast_in_dim3A_216 = arith.constant 0.000000e+00 : f32
      %broadcast_in_dim3A_217 = vector.broadcast %broadcast_in_dim3A_216 : f32 to vector<16xf32>
      %broadcast_in_dim3A_218 = arith.constant 0 : i32
      %broadcast_in_dim3A_219 = vector.broadcast %broadcast_in_dim3A_218 : i32 to vector<16xi32>
      %scan3A_220 = arith.constant 0 : i32
      %scan3A_221 = arith.constant 12 : i32
      %scan3A_222 = arith.addi %scan3A_220, %scan3A_221 : i32
      %scan3A_223 = arith.constant 1 : i32
      %scan3A_224:2 = scf.for %scan3A_245 = %scan3A_220 to %scan3A_222 step %scan3A_223 iter_args(%scan3A_246 = %broadcast_in_dim3A_217, %scan3A_247 = %broadcast_in_dim3A_219) -> (vector<16xf32>, vector<16xi32>)  : i32 {
        %gather3A = tpu.vector_load_idx %arg12[%add3A_30, %scan3A_247] : memref<128x96xf32, #tpu.memory_space<vmem>>[vector<16xi32>, vector<16xi32>], vector<16xf32>,
        %gather3A_248 = tpu.vector_load_idx %arg13[%add3A_30, %scan3A_247] : memref<128x96xf32, #tpu.memory_space<vmem>>[vector<16xi32>, vector<16xi32>], vector<16xf32>,
        %sub3A = arith.subf %gather3A, %gather3A_248 : vector<16xf32>
        %mul3A_249 = arith.mulf %sub3A, %sub3A : vector<16xf32>
        %add3A_250 = arith.addf %scan3A_246, %mul3A_249 : vector<16xf32>
        %add3A_251 = arith.constant 1 : i32
        %add3A_252 = vector.broadcast %add3A_251 : i32 to vector<16xi32>
        %add3A_253 = arith.addi %scan3A_247, %add3A_252 : vector<16xi32>
        %gather3A_254 = tpu.vector_load_idx %arg12[%add3A_30, %add3A_253] : memref<128x96xf32, #tpu.memory_space<vmem>>[vector<16xi32>, vector<16xi32>], vector<16xf32>,
        %gather3A_255 = tpu.vector_load_idx %arg13[%add3A_30, %add3A_253] : memref<128x96xf32, #tpu.memory_space<vmem>>[vector<16xi32>, vector<16xi32>], vector<16xf32>,
        %sub3A_256 = arith.subf %gather3A_254, %gather3A_255 : vector<16xf32>
        %mul3A_257 = arith.mulf %sub3A_256, %sub3A_256 : vector<16xf32>
        %add3A_258 = arith.addf %add3A_250, %mul3A_257 : vector<16xf32>
        %add3A_259 = arith.constant 1 : i32
        %add3A_260 = vector.broadcast %add3A_259 : i32 to vector<16xi32>
        %add3A_261 = arith.addi %add3A_253, %add3A_260 : vector<16xi32>
        %gather3A_262 = tpu.vector_load_idx %arg12[%add3A_30, %add3A_261] : memref<128x96xf32, #tpu.memory_space<vmem>>[vector<16xi32>, vector<16xi32>], vector<16xf32>,
        %gather3A_263 = tpu.vector_load_idx %arg13[%add3A_30, %add3A_261] : memref<128x96xf32, #tpu.memory_space<vmem>>[vector<16xi32>, vector<16xi32>], vector<16xf32>,
        %sub3A_264 = arith.subf %gather3A_262, %gather3A_263 : vector<16xf32>
        %mul3A_265 = arith.mulf %sub3A_264, %sub3A_264 : vector<16xf32>
        %add3A_266 = arith.addf %add3A_258, %mul3A_265 : vector<16xf32>
        %add3A_267 = arith.constant 1 : i32
        %add3A_268 = vector.broadcast %add3A_267 : i32 to vector<16xi32>
        %add3A_269 = arith.addi %add3A_261, %add3A_268 : vector<16xi32>
        %gather3A_270 = tpu.vector_load_idx %arg12[%add3A_30, %add3A_269] : memref<128x96xf32, #tpu.memory_space<vmem>>[vector<16xi32>, vector<16xi32>], vector<16xf32>,
        %gather3A_271 = tpu.vector_load_idx %arg13[%add3A_30, %add3A_269] : memref<128x96xf32, #tpu.memory_space<vmem>>[vector<16xi32>, vector<16xi32>], vector<16xf32>,
        %sub3A_272 = arith.subf %gather3A_270, %gather3A_271 : vector<16xf32>
        %mul3A_273 = arith.mulf %sub3A_272, %sub3A_272 : vector<16xf32>
        %add3A_274 = arith.addf %add3A_266, %mul3A_273 : vector<16xf32>
        %add3A_275 = arith.constant 1 : i32
        %add3A_276 = vector.broadcast %add3A_275 : i32 to vector<16xi32>
        %add3A_277 = arith.addi %add3A_269, %add3A_276 : vector<16xi32>
        %gather3A_278 = tpu.vector_load_idx %arg12[%add3A_30, %add3A_277] : memref<128x96xf32, #tpu.memory_space<vmem>>[vector<16xi32>, vector<16xi32>], vector<16xf32>,
        %gather3A_279 = tpu.vector_load_idx %arg13[%add3A_30, %add3A_277] : memref<128x96xf32, #tpu.memory_space<vmem>>[vector<16xi32>, vector<16xi32>], vector<16xf32>,
        %sub3A_280 = arith.subf %gather3A_278, %gather3A_279 : vector<16xf32>
        %mul3A_281 = arith.mulf %sub3A_280, %sub3A_280 : vector<16xf32>
        %add3A_282 = arith.addf %add3A_274, %mul3A_281 : vector<16xf32>
        %add3A_283 = arith.constant 1 : i32
        %add3A_284 = vector.broadcast %add3A_283 : i32 to vector<16xi32>
        %add3A_285 = arith.addi %add3A_277, %add3A_284 : vector<16xi32>
        %gather3A_286 = tpu.vector_load_idx %arg12[%add3A_30, %add3A_285] : memref<128x96xf32, #tpu.memory_space<vmem>>[vector<16xi32>, vector<16xi32>], vector<16xf32>,
        %gather3A_287 = tpu.vector_load_idx %arg13[%add3A_30, %add3A_285] : memref<128x96xf32, #tpu.memory_space<vmem>>[vector<16xi32>, vector<16xi32>], vector<16xf32>,
        %sub3A_288 = arith.subf %gather3A_286, %gather3A_287 : vector<16xf32>
        %mul3A_289 = arith.mulf %sub3A_288, %sub3A_288 : vector<16xf32>
        %add3A_290 = arith.addf %add3A_282, %mul3A_289 : vector<16xf32>
        %add3A_291 = arith.constant 1 : i32
        %add3A_292 = vector.broadcast %add3A_291 : i32 to vector<16xi32>
        %add3A_293 = arith.addi %add3A_285, %add3A_292 : vector<16xi32>
        %gather3A_294 = tpu.vector_load_idx %arg12[%add3A_30, %add3A_293] : memref<128x96xf32, #tpu.memory_space<vmem>>[vector<16xi32>, vector<16xi32>], vector<16xf32>,
        %gather3A_295 = tpu.vector_load_idx %arg13[%add3A_30, %add3A_293] : memref<128x96xf32, #tpu.memory_space<vmem>>[vector<16xi32>, vector<16xi32>], vector<16xf32>,
        %sub3A_296 = arith.subf %gather3A_294, %gather3A_295 : vector<16xf32>
        %mul3A_297 = arith.mulf %sub3A_296, %sub3A_296 : vector<16xf32>
        %add3A_298 = arith.addf %add3A_290, %mul3A_297 : vector<16xf32>
        %add3A_299 = arith.constant 1 : i32
        %add3A_300 = vector.broadcast %add3A_299 : i32 to vector<16xi32>
        %add3A_301 = arith.addi %add3A_293, %add3A_300 : vector<16xi32>
        %gather3A_302 = tpu.vector_load_idx %arg12[%add3A_30, %add3A_301] : memref<128x96xf32, #tpu.memory_space<vmem>>[vector<16xi32>, vector<16xi32>], vector<16xf32>,
        %gather3A_303 = tpu.vector_load_idx %arg13[%add3A_30, %add3A_301] : memref<128x96xf32, #tpu.memory_space<vmem>>[vector<16xi32>, vector<16xi32>], vector<16xf32>,
        %sub3A_304 = arith.subf %gather3A_302, %gather3A_303 : vector<16xf32>
        %mul3A_305 = arith.mulf %sub3A_304, %sub3A_304 : vector<16xf32>
        %add3A_306 = arith.addf %add3A_298, %mul3A_305 : vector<16xf32>
        %add3A_307 = arith.constant 1 : i32
        %add3A_308 = vector.broadcast %add3A_307 : i32 to vector<16xi32>
        %add3A_309 = arith.addi %add3A_301, %add3A_308 : vector<16xi32>
        scf.yield %add3A_306, %add3A_309 : vector<16xf32>, vector<16xi32>
      }
      %scan3A_225 = arith.constant 12 : i32
      %neg3A_226 = arith.constant 0.000000e+00 : f32
      %neg3A_227 = vector.broadcast %neg3A_226 : f32 to vector<16xf32>
      %neg3A_228 = arith.subf %neg3A_227, %scan3A_224#0 : vector<16xf32>
      %exp3A_229 = math.exp %neg3A_228 : vector<16xf32>
      %get3A_230 = arith.constant 112 : index
      %get3A_231 = tpu.vector_load %arg14[%get3A_230] {strides = array<i32>} : memref<128xf32, #tpu.memory_space<vmem>>, vector<16xf32>,
      %swap3A_232 = arith.constant 112 : index
      %swap3A_233 = tpu.vector_load %arg15[%swap3A_232] {strides = array<i32>} : memref<128xf32, #tpu.memory_space<vmem>>, vector<16xf32>,
      tpu.vector_store %arg15[%swap3A_232], %exp3A_229 {strides = array<i32>} : memref<128xf32, #tpu.memory_space<vmem>>, vector<16xf32>,
      %mul3A_234 = arith.mulf %exp3A_229, %get3A_231 : vector<16xf32>
      %swap3A_235 = arith.constant 112 : index
      %swap3A_236 = tpu.vector_load %arg16[%swap3A_235] {strides = array<i32>} : memref<128xf32, #tpu.memory_space<vmem>>, vector<16xf32>,
      tpu.vector_store %arg16[%swap3A_235], %mul3A_234 {strides = array<i32>} : memref<128xf32, #tpu.memory_space<vmem>>, vector<16xf32>,
      %dma_start3A_237 = arith.constant 0 : i32
      %dma_start3A_238 = tpu.memref_slice %arg21[%dma_start3A_237] : memref<147584xf32, #tpu.memory_space<vmem_shared>> -> memref<147584xf32, #tpu.memory_space<vmem_shared>>
      tpu.enqueue_indirect_dma source(%arg16 : memref<128xf32, #tpu.memory_space<vmem>>) target(%dma_start3A_238 : memref<147584xf32, #tpu.memory_space<vmem_shared>>) offsets(%arg11 : memref<128xi32, #tpu.memory_space<vmem>>) semaphore(%arg23 : memref<!tpu.dma_semaphore, #tpu.memory_space<semaphore_mem>>) {add = true}
      %dma_wait3A_239 = arith.constant 0 : i32
      %dma_wait3A_240 = tpu.memref_slice %arg21[%dma_wait3A_239] : memref<147584xf32, #tpu.memory_space<vmem_shared>> -> memref<147584xf32, #tpu.memory_space<vmem_shared>>
      tpu.wait_indirect_dma semaphore(%arg23 : memref<!tpu.dma_semaphore, #tpu.memory_space<semaphore_mem>>) src(%arg16 : memref<128xf32, #tpu.memory_space<vmem>>) dst(%dma_wait3A_240 : memref<147584xf32, #tpu.memory_space<vmem_shared>>)
      %dma_start3A_241 = arith.constant 0 : i32
      %dma_start3A_242 = tpu.memref_slice %arg22[%dma_start3A_241] : memref<147584xf32, #tpu.memory_space<vmem_shared>> -> memref<147584xf32, #tpu.memory_space<vmem_shared>>
      tpu.enqueue_indirect_dma source(%arg15 : memref<128xf32, #tpu.memory_space<vmem>>) target(%dma_start3A_242 : memref<147584xf32, #tpu.memory_space<vmem_shared>>) offsets(%arg11 : memref<128xi32, #tpu.memory_space<vmem>>) semaphore(%arg24 : memref<!tpu.dma_semaphore, #tpu.memory_space<semaphore_mem>>) {add = true}
      %dma_wait3A_243 = arith.constant 0 : i32
      %dma_wait3A_244 = tpu.memref_slice %arg22[%dma_wait3A_243] : memref<147584xf32, #tpu.memory_space<vmem_shared>> -> memref<147584xf32, #tpu.memory_space<vmem_shared>>
      tpu.wait_indirect_dma semaphore(%arg24 : memref<!tpu.dma_semaphore, #tpu.memory_space<semaphore_mem>>) src(%arg15 : memref<128xf32, #tpu.memory_space<vmem>>) dst(%dma_wait3A_244 : memref<147584xf32, #tpu.memory_space<vmem_shared>>)
    }
    %scan3A_40 = arith.constant 72 : i32
    %barrier3A_41 = arith.constant 0 : index
    tpu.barrier barrier_id(%barrier3A_41)
    %mul3A_42 = arith.constant 9216 : i32
    %mul3A_43 = arith.muli %arg1, %mul3A_42 : i32
    "tpu.region"() ({
      %run_scoped3A = tpu.sem_alloc : memref<!tpu.dma_semaphore, #tpu.memory_space<semaphore_mem>>
      %dma_start3A = tpu.memref_slice %arg21[%mul3A_43] : memref<147584xf32, #tpu.memory_space<vmem_shared>> -> memref<9216xf32, #tpu.memory_space<vmem_shared>>
      %dma_start3A_56 = tpu.memref_slice %arg21[%mul3A_43] : memref<147584xf32, #tpu.memory_space<vmem_shared>> -> memref<9216xf32, #tpu.memory_space<vmem_shared>>
      tpu.enqueue_dma source(%dma_start3A_56 : memref<9216xf32, #tpu.memory_space<vmem_shared>>) target(%arg17 : memref<9216xf32, #tpu.memory_space<vmem>>) target_semaphore(%run_scoped3A : memref<!tpu.dma_semaphore, #tpu.memory_space<semaphore_mem>>)
      %dma_wait3A = tpu.memref_slice %arg21[%mul3A_43] : memref<147584xf32, #tpu.memory_space<vmem_shared>> -> memref<9216xf32, #tpu.memory_space<vmem_shared>>
      %dma_wait3A_57 = tpu.memref_slice %arg21[%mul3A_43] : memref<147584xf32, #tpu.memory_space<vmem_shared>> -> memref<9216xf32, #tpu.memory_space<vmem_shared>>
      tpu.wait_dma2 semaphore(%run_scoped3A : memref<!tpu.dma_semaphore, #tpu.memory_space<semaphore_mem>>) src(%dma_wait3A_57 : memref<9216xf32, #tpu.memory_space<vmem_shared>>) dst(%arg17 : memref<9216xf32, #tpu.memory_space<vmem>>)
      tpu.yield
    }) : () -> ()
    "tpu.region"() ({
      %run_scoped3A = tpu.sem_alloc : memref<!tpu.dma_semaphore, #tpu.memory_space<semaphore_mem>>
      %dma_start3A = tpu.memref_slice %arg22[%mul3A_43] : memref<147584xf32, #tpu.memory_space<vmem_shared>> -> memref<9216xf32, #tpu.memory_space<vmem_shared>>
      %dma_start3A_56 = tpu.memref_slice %arg22[%mul3A_43] : memref<147584xf32, #tpu.memory_space<vmem_shared>> -> memref<9216xf32, #tpu.memory_space<vmem_shared>>
      tpu.enqueue_dma source(%dma_start3A_56 : memref<9216xf32, #tpu.memory_space<vmem_shared>>) target(%arg18 : memref<9216xf32, #tpu.memory_space<vmem>>) target_semaphore(%run_scoped3A : memref<!tpu.dma_semaphore, #tpu.memory_space<semaphore_mem>>)
      %dma_wait3A = tpu.memref_slice %arg22[%mul3A_43] : memref<147584xf32, #tpu.memory_space<vmem_shared>> -> memref<9216xf32, #tpu.memory_space<vmem_shared>>
      %dma_wait3A_57 = tpu.memref_slice %arg22[%mul3A_43] : memref<147584xf32, #tpu.memory_space<vmem_shared>> -> memref<9216xf32, #tpu.memory_space<vmem_shared>>
      tpu.wait_dma2 semaphore(%run_scoped3A : memref<!tpu.dma_semaphore, #tpu.memory_space<semaphore_mem>>) src(%dma_wait3A_57 : memref<9216xf32, #tpu.memory_space<vmem_shared>>) dst(%arg18 : memref<9216xf32, #tpu.memory_space<vmem>>)
      tpu.yield
    }) : () -> ()
    %mul3A_44 = arith.constant 147456 : i32
    %mul3A_45 = arith.muli %arg0, %mul3A_44 : i32
    %add3A_46 = arith.addi %mul3A_45, %mul3A_43 : i32
    "tpu.region"() ({
      %run_scoped3A = tpu.sem_alloc : memref<!tpu.dma_semaphore, #tpu.memory_space<semaphore_mem>>
      %dma_start3A = tpu.memref_slice %arg3[%add3A_46] : memref<294912xf32, #tpu.memory_space<hbm>> -> memref<9216xf32, #tpu.memory_space<hbm>>
      %dma_start3A_56 = tpu.memref_slice %arg3[%add3A_46] : memref<294912xf32, #tpu.memory_space<hbm>> -> memref<9216xf32, #tpu.memory_space<hbm>>
      tpu.enqueue_dma source(%dma_start3A_56 : memref<9216xf32, #tpu.memory_space<hbm>>) target(%arg19 : memref<9216xf32, #tpu.memory_space<vmem>>) target_semaphore(%run_scoped3A : memref<!tpu.dma_semaphore, #tpu.memory_space<semaphore_mem>>)
      %dma_wait3A = tpu.memref_slice %arg3[%add3A_46] : memref<294912xf32, #tpu.memory_space<hbm>> -> memref<9216xf32, #tpu.memory_space<hbm>>
      %dma_wait3A_57 = tpu.memref_slice %arg3[%add3A_46] : memref<294912xf32, #tpu.memory_space<hbm>> -> memref<9216xf32, #tpu.memory_space<hbm>>
      tpu.wait_dma2 semaphore(%run_scoped3A : memref<!tpu.dma_semaphore, #tpu.memory_space<semaphore_mem>>) src(%dma_wait3A_57 : memref<9216xf32, #tpu.memory_space<hbm>>) dst(%arg19 : memref<9216xf32, #tpu.memory_space<vmem>>)
      tpu.yield
    }) : () -> ()
    %scan3A_47 = arith.constant 0 : i32
    %scan3A_48 = arith.constant 0 : i32
    %scan3A_49 = arith.constant 576 : i32
    %scan3A_50 = arith.addi %scan3A_48, %scan3A_49 : i32
    %scan3A_51 = arith.constant 1 : i32
    scf.for %scan3A_56 = %scan3A_48 to %scan3A_50 step %scan3A_51  : i32 {
      %mul3A_57 = arith.constant 16 : i32
      %mul3A_58 = arith.muli %scan3A_56, %mul3A_57 : i32
      %get3A = arith.index_cast %mul3A_58 : i32 to index
      %get3A_59 = tpu.vector_load %arg19[%get3A] {strides = array<i32>} : memref<9216xf32, #tpu.memory_space<vmem>>, vector<16xf32>,
      %get3A_60 = arith.index_cast %mul3A_58 : i32 to index
      %get3A_61 = tpu.vector_load %arg17[%get3A_60] {strides = array<i32>} : memref<9216xf32, #tpu.memory_space<vmem>>, vector<16xf32>,
      %add3A_62 = arith.addf %get3A_59, %get3A_61 : vector<16xf32>
      %get3A_63 = arith.index_cast %mul3A_58 : i32 to index
      %get3A_64 = tpu.vector_load %arg18[%get3A_63] {strides = array<i32>} : memref<9216xf32, #tpu.memory_space<vmem>>, vector<16xf32>,
      %add3A_65 = arith.constant 1.000000e+00 : f32
      %add3A_66 = vector.broadcast %add3A_65 : f32 to vector<16xf32>
      %add3A_67 = arith.addf %add3A_66, %get3A_64 : vector<16xf32>
      %div3A = arith.divf %add3A_62, %add3A_67 : vector<16xf32>
      %swap3A = arith.index_cast %mul3A_58 : i32 to index
      %swap3A_68 = tpu.vector_load %arg20[%swap3A] {strides = array<i32>} : memref<9216xf32, #tpu.memory_space<vmem>>, vector<16xf32>,
      tpu.vector_store %arg20[%swap3A], %div3A {strides = array<i32>} : memref<9216xf32, #tpu.memory_space<vmem>>, vector<16xf32>,
    }
    %scan3A_52 = arith.constant 576 : i32
    %mul3A_53 = arith.constant 147456 : i32
    %mul3A_54 = arith.muli %arg0, %mul3A_53 : i32
    %add3A_55 = arith.addi %mul3A_54, %mul3A_43 : i32
    "tpu.region"() ({
      %run_scoped3A = tpu.sem_alloc : memref<!tpu.dma_semaphore, #tpu.memory_space<semaphore_mem>>
      %dma_start3A = tpu.memref_slice %arg8[%add3A_55] : memref<294912xf32, #tpu.memory_space<hbm>> -> memref<9216xf32, #tpu.memory_space<hbm>>
      %dma_start3A_56 = tpu.memref_slice %arg8[%add3A_55] : memref<294912xf32, #tpu.memory_space<hbm>> -> memref<9216xf32, #tpu.memory_space<hbm>>
      tpu.enqueue_dma source(%arg20 : memref<9216xf32, #tpu.memory_space<vmem>>) target(%dma_start3A_56 : memref<9216xf32, #tpu.memory_space<hbm>>) target_semaphore(%run_scoped3A : memref<!tpu.dma_semaphore, #tpu.memory_space<semaphore_mem>>)
      %dma_wait3A = tpu.memref_slice %arg8[%add3A_55] : memref<294912xf32, #tpu.memory_space<hbm>> -> memref<9216xf32, #tpu.memory_space<hbm>>
      %dma_wait3A_57 = tpu.memref_slice %arg8[%add3A_55] : memref<294912xf32, #tpu.memory_space<hbm>> -> memref<9216xf32, #tpu.memory_space<hbm>>
      tpu.wait_dma2 semaphore(%run_scoped3A : memref<!tpu.dma_semaphore, #tpu.memory_space<semaphore_mem>>) src(%arg20 : memref<9216xf32, #tpu.memory_space<vmem>>) dst(%dma_wait3A_57 : memref<9216xf32, #tpu.memory_space<hbm>>)
      tpu.yield
    }) : () -> ()
    return
  }
}

</mosaic_0001>

<sc_bundles>
// kernel: kernel.3.cloned.1.call-start
scs
__scs_entry_jumppad:
0x0: {  	(pc) =	sbr.rel $0x88, $3  }
0x1: {  	(tag) =	ssettag $0x0;
	lr =	simm.s32 $0x1  }
0x2: {  	[smem:$0x3F9D] =	sst lr;
	_ =	strace $0xD0000000  }
0x3: {  	_ = 	snop  }
0x4: {  	_ = 	snop  }
0x5: {  	_ = 	snop  }
0x6: {  	_ = 	snop  }
0x7: {  	_ = 	snop  }
__scs_overlays_trampoline_lowered:
0x8: {  	[smem:$0x3FAC] =	sst s0  }
0x9: {  	[smem:$0x3FAD] =	sst s1  }
0xa: {  	[smem:$0x3FAE] =	sst s2  }
0xb: {  	[smem:$0x3FAF] =	sst s3  }
0xc: {  	[smem:$0x3FB0] =	sst s4  }
0xd: {  	[smem:$0x3FB1] =	sst s5  }
0xe: {  	[smem:$0x3FB2] =	sst s6  }
0xf: {  	[smem:$0x3FB3] =	sst s7  }
0x10: {  	[smem:$0x3FB4] =	sst s8  }
0x11: {  	[smem:$0x3FB5] =	sst s9;
	s0 =	simm.s32 @!p0 $0x0  }
0x12: {  	s1 =	sld [smem:$0x3F9B];
	s0 =	simm.s32 @p0 $0x1  }
0x13: {  	[smem:$0x3FB6] =	sst s0;
	s0 =	simm.s32 @!p1 $0x0  }
0x14: {  	s2 =	sld [smem:$0x3F9A];
	s0 =	simm.s32 @p1 $0x1  }
0x15: {  	[smem:$0x3FB7] =	sst s0;
	s0 =	simm.s32 @!p2 $0x0  }
0x16: {  	s3 =	sld [smem:$0x3FDB];
	s0 =	simm.s32 @p2 $0x1  }
0x17: {  	s4 =	simm.s32 $0x1BF5;
	[smem:$0x3FB9] =	sst s0  }
0x18: {  	s0 =	sld [smem:$0x3F9C];
	_ =	swait.ge [sflag:s4], $0x0  }
0x19: {  	s7 =	sld [smem:$0x3F9D]  }
0x1a: {  	s8 =	sadd.s32 $0xFFFFE003, lr  }
0x1b: {  	s9 =	sadd.s32 $0xFFFFFEF7, lr;
	s5 =	simm.s32 $0xFFFFFFFF;
	p2 =	slt.u32 s8, $0xFFFFF086  }
0x1c: {  	p1 =	slt.u32 s9, $0xF7A;
	s5 =	simm.s32 @!p2 $0x0  }
0x1d: {  	s5 =	simm.s32 @p1 $0x1;
	p0 =	seq.s32 s7, s2  }
0x1e: {  	s7 =	smul.u32 @!p0 $0xF7A, s2;
	p2 =	seq.s32 @!p0 s5, $0x0  }
0x1f: {  	s9 =	smul.u32 $0xF7A, s1;
	s8 =	simm.s32 @!p0 $0x1BF5;
	p2 =	por !p2, p0  }
0x20: {  	[sflag:s8] =	ssyncset.s32 @!p0 $0xFFFFF086;
	s6 =	sadd.s32 @!p0 s3, s7;
	s7 =	simm.s32 @!p0 $0x108  }
0x21: {  	s3 =	sadd.s32 s3, s9;
	s6 =	sadd.s32 @!p0 $0x88, s6;
	s7 =	simm.s32 @p2 $0x1082  }
0x22: {  	[simem:s7], [sflag:s8] =	dma.local @!p0 [hbm:s6], $0xF7A  }
0x23: {  	s9 =	sor.u32 $0xD0000000, s2;
	s6 =	simm.s32 $0x108;
	_ =	swait.ge @!p0 [sflag:s8], $0x0  }
0x24: {  	s3 =	sadd.s32 $0x88, s3;
	s6 =	simm.s32 @!p1 $0x1082;
	[sflag:s4] =	ssyncset.s32 $0xFFFFF086  }
0x25: {  	[simem:s6], [sflag:s4] =	dma.local [hbm:s3], $0xF7A  }
0x26: {  	[smem:$0x3F9D] =	sst s1;
	(tag) =	ssettag s2;
	_ =	strace s9  }
0x27: {  	s1 =	sld [smem:$0x3FAD]  }
0x28: {  	s2 =	sld [smem:$0x3FAE]  }
0x29: {  	s4 =	sld [smem:$0x3FB0]  }
0x2a: {  	p0 =	seq.s32 s5, $0x0;
	s5 =	sld [smem:$0x3FB1]  }
0x2b: {  	s6 =	sld [smem:$0x3FB2]  }
0x2c: {  	s7 =	sld [smem:$0x3FB3]  }
0x2d: {  	s3 =	simm.s32 $0x108;
	s8 =	sld [smem:$0x3FB4]  }
0x2e: {  	s3 =	simm.s32 @!p0 $0x1082;
	s9 =	sld [smem:$0x3FB5]  }
0x2f: {  	lr =	sadd.s32 s0, s3;
	s0 =	sld [smem:$0x3FAC]  }
0x30: {  	s3 =	sld [smem:$0x3FAF]  }
0x31: {  	[smem:$0x3FB8] =	sst s10  }
0x32: {  	s10 =	sld [smem:$0x3FB6];
	_ =	sdelay $0x3  }
0x33: {  	p0 =	seq.s32 s10, $0x1;
	s10 =	sld [smem:$0x3FB8];
	_ =	sdelay $0x3  }
0x34: {  	[smem:$0x3FB8] =	sst s10  }
0x35: {  	s10 =	sld [smem:$0x3FB7];
	_ =	sdelay $0x3  }
0x36: {  	p1 =	seq.s32 s10, $0x1;
	s10 =	sld [smem:$0x3FB8];
	_ =	sdelay $0x3  }
0x37: {  	[smem:$0x3FB8] =	sst s10  }
0x38: {  	s10 =	sld [smem:$0x3FB9]  }
0x39: {  	_ = 	snop;
	(pc) =	sbr.ind lr, $3  }
0x3a: {  	_ = 	snop  }
0x3b: {  	_ = 	snop  }
0x3c: {  	p2 =	seq.s32 s10, $0x1;
	s10 =	sld [smem:$0x3FB8]  }
0x3d: {  	_ =	shalt  }
0x3e: {  	_ =	shalt  }
0x3f: {  	_ =	shalt  }
0x40: {  	_ =	shalt  }
0x41: {  	_ =	shalt  }
0x42: {  	_ =	shalt  }
0x43: {  	_ =	shalt  }
0x44: {  	_ =	shalt  }
0x45: {  	_ =	shalt  }
0x46: {  	_ =	shalt  }
0x47: {  	_ =	shalt  }
0x48: {  	_ =	shalt  }
0x49: {  	_ =	shalt  }
0x4a: {  	_ =	shalt  }
0x4b: {  	_ =	shalt  }
0x4c: {  	_ =	shalt  }
0x4d: {  	_ =	shalt  }
0x4e: {  	_ =	shalt  }
0x4f: {  	_ =	shalt  }
0x50: {  	_ =	shalt  }
0x51: {  	_ =	shalt  }
0x52: {  	_ =	shalt  }
0x53: {  	_ =	shalt  }
0x54: {  	_ =	shalt  }
0x55: {  	_ =	shalt  }
0x56: {  	_ =	shalt  }
0x57: {  	_ =	shalt  }
0x58: {  	_ =	shalt  }
0x59: {  	_ =	shalt  }
0x5a: {  	_ =	shalt  }
0x5b: {  	_ =	shalt  }
0x5c: {  	_ =	shalt  }
0x5d: {  	_ =	shalt  }
0x5e: {  	_ =	shalt  }
0x5f: {  	_ =	shalt  }
0x60: {  	_ =	shalt  }
0x61: {  	_ =	shalt  }
0x62: {  	_ =	shalt  }
0x63: {  	_ =	shalt  }
0x64: {  	_ =	shalt  }
0x65: {  	_ =	shalt  }
0x66: {  	_ =	shalt  }
0x67: {  	_ =	shalt  }
0x68: {  	_ =	shalt  }
0x69: {  	_ =	shalt  }
0x6a: {  	_ =	shalt  }
0x6b: {  	_ =	shalt  }
0x6c: {  	_ =	shalt  }
0x6d: {  	_ =	shalt  }
0x6e: {  	_ =	shalt  }
0x6f: {  	_ =	shalt  }
0x70: {  	_ =	shalt  }
0x71: {  	_ =	shalt  }
0x72: {  	_ =	shalt  }
0x73: {  	_ =	shalt  }
0x74: {  	_ =	shalt  }
0x75: {  	_ =	shalt  }
0x76: {  	_ =	shalt  }
0x77: {  	_ =	shalt  }
0x78: {  	_ =	shalt  }
0x79: {  	_ =	shalt  }
0x7a: {  	_ =	shalt  }
0x7b: {  	_ =	shalt  }
0x7c: {  	_ =	shalt  }
0x7d: {  	_ =	shalt  }
0x7e: {  	_ =	shalt  }
0x7f: {  	_ =	shalt  }
0x80: {  	_ =	shalt  }
0x81: {  	_ =	shalt  }
0x82: {  	_ =	shalt  }
0x83: {  	_ =	shalt  }
0x84: {  	_ =	shalt  }
0x85: {  	_ =	shalt  }
0x86: {  	_ =	shalt  }
0x87: {  	_ =	shalt  }
.Lfunc_end0:
.L_simem_size_0:
called_computation.1_lowered:
.L_overlay_start_0:
0x88: {  	s2 =	sld [smem:$0x3FD9]  }
0x89: {  	s3 =	sld [smem:$0x3FFE];
	_ =	sdelay $0x1  }
0x8a: {  	s1 =	srdreg.scid  }
0x8b: {  	s0 =	sand.u32 $0x1, s1  }
0x8c: {  	s17 =	sshll.u32 s0, $0xA;
	s2 =	sadd.s32 s3, s2  }
0x8d: {  	s2 =	sadd.s32 s2, s17  }
0x8e: {  	[smem:$0x3FC4] =	sst s2  }
0x8f: {  	_ = 	snop  }
0x90: {  	s2 =	sld [smem:$0x3FD0];
	(tm) =	ssettm $0x1  }
0x91: {  	s18 =	sld [smem:$0x3FFB];
	_ =	sdelay $0x3  }
0x92: {  	_ =	strace s18  }
0x93: {  	s3 =	sld [smem:$0x3FFC];
	_ =	sdelay $0x3  }
0x94: {  	_ =	strace s3  }
0x95: {  	s3 =	sld [smem:$0x3FFD];
	_ =	sdelay $0x3  }
0x96: {  	_ =	strace s3  }
0x97: {  	_ =	strace $0x8FFFFFFF  }
0x98: {  	s19 =	sld [smem:$0x3FDB];
	_ =	sdelay $0x1  }
0x99: {  	s4 =	simm.s32 $_scs_section_size  }
0x9a: {  	s5 =	simm.s32 $_size__tile_overlayer_lowered;
	s6 =	simm.s32 $_tile_overlayer_lowered  }
0x9b: {  	s22 =	simm.s32 $0x1BFF;
	s21 =	sshll.u32 s6, $0x1;
	s3 =	sadd.s32 s4, s19  }
0x9c: {  	s7 =	simm.s32 $0x0;
	s20 =	sshll.u32 s5, $0x1;
	s5 =	sadd.s32 s21, s3  }
0x9d: {  	[timem:s7], [sflag:s22] =	dma.local [hbm:s5], s20  }
0x9e: {  	_ =	swait.ge [sflag:s22], s20  }
0x9f: {  	s4 =	ssub.s32 $0x0, s20;
	[sflag:s22] =	ssyncset.done $0x0  }
0xa0: {  	[sflag:s22] =	ssyncadd.s32 s4;
	_ =	sdelay $0x1  }
0xa1: {  	s23 =	simm.s32 $0x1B8B  }
0xa2: {  	_ =	swait.ge [sflag:s23], $0x1  }
0xa3: {  	[sflag:s23] =	ssyncset.done $0x0  }
0xa4: {  	s25 =	simm.s32 $0x1B8E;
	s24 =	sld [smem:$0x3FFE];
	[sflag:s23] =	ssyncadd.s32 $0xFFFFFFFF  }
0xa5: {  	s26 =	simm.s32 $execute0_lowered;
	[smem:$0x3FD2] =	sst s25  }
0xa6: {  	s5 =	sshll.u32 s26, $0x1;
	_ =	strace $0x80000049;
	[dreg:$0x1] =	wrdreg $0xFFFFFFFF  }
0xa7: {  	s28 =	simm.s32 $_size_execute0_lowered;
	s3 =	sadd.s32 s3, s5;
	[dreg:$0x0] =	wrdreg $0x0  }
0xa8: {  	s5 =	sshll.u32 s28, $0x1;
	[dreg:$0x2] =	wrdreg s3  }
0xa9: {  	[dreg:$0x3] =	wrdreg s5  }
0xaa: {  	[dreg:$0x4] =	wrdreg $0xC0  }
0xab: {  	_ =	task [dreg:s7], $0x5FFFF  }
0xac: {  	[dreg:$0x1] =	wrdreg $0xFFFFFFFF  }
0xad: {  	[dreg:$0x0] =	wrdreg $0x60  }
0xae: {  	[dreg:$0x2] =	wrdreg s24  }
0xaf: {  	[dreg:$0x3] =	wrdreg s2  }
0xb0: {  	[dreg:$0x4] =	wrdreg $0xF3000  }
0xb1: {  	[dreg:$0x5] =	wrdreg $0x117080  }
0xb2: {  	[dreg:$0x6] =	wrdreg $0x9  }
0xb3: {  	_ =	task.clear_ibuf [dreg:s7], $0x7FFFF;
	_ =	strace $0x90000049  }
0xb4: {  	s29 =	simm.s32 $0x9;
	_ =	strace $0x8000004B  }
0xb5: {  	_ =	swait.ge [sflag:s29], $0x1  }
0xb6: {  	[sflag:s29] =	ssyncadd.s32 $0xFFFFFFFF  }
0xb7: {  	_ =	strace $0x9000004B  }
0xb8: {  	_ =	sfence  }
0xb9: {  	s30 =	sld [smem:$0x0];
	_ =	sdelay $0x2  }
0xba: {  	s31 =	sshll.u32 s1, $0xD;
	s1 =	sshrl.u32 s1, $0x2  }
0xbb: {  	s3 =	sand.u32 $0x4000, s31;
	s1 =	sadd.s32 s1, s30  }
0xbc: {  	s0 =	sor.u32 s3, s0;
	s1 =	sshll.u32 s1, $0x11  }
0xbd: {  	s0 =	sor.u32 s1, s0  }
0xbe: {  	s0 =	sadd.s32 $0x8F2B, s0  }
0xbf: {  	[sflag:s0] =	ssyncadd.remote.s32 $0x1  }
0xc0: {  	_ =	sfence.sel $0xFFFF  }
0xc1: {  	[dreg:$0x0] =	wrdreg $0xFFFFFFFF;
	(pc) =	sbr.abs _section_cstart, $3  }
0xc2: {  	[dreg:$0x1] =	wrdreg $0xFFFFFFFF  }
0xc3: {  	_ =	task.clear_ibuf [dreg:s7], $0x2FFFF;
	_ =	strace $0x9FFFFFFF  }
0xc4: {  	(tm) =	ssettm $0x7FFFFFFF  }
0xc5: {  	_ =	shalt  }
tec
execute0_lowered:
.L_overlay_start_1:
0x0: {  	(tag) =	ssettag $0x1  }
0x1: {  	s0 =	rddreg [dreg:$0x0]  }
0x2: {  	s2 =	rddreg [dreg:$0x1]  }
0x3: {  	s3 =	rddreg [dreg:$0x2]  }
0x4: {  	s4 =	rddreg [dreg:$0x3];
	s16 =	stileid.u32  }
0x5: {  	s1 =	srdreg.scid;
	s5 =	simm.s32 $0x0;
	s19 =	simm.s32 $0x4  }
0x6: {  	s21 =	simm.s32 $0x80;
	s22 =	simm.s32 $0x100;
	s23 =	simm.s32 $0x180  }
0x7: {  	s28 =	simm.s32 $0x2;
	s29 =	simm.s32 $0x3;
	s30 =	simm.s32 $0x6280  }
0x8: {  	s31 =	simm.s32 $0x6200;
	s13 =	smul.u32 $0x2408, s16;
	s1 =	sand.u32 $0x1, s1  }
0x9: {  	[smem:$0x7FF] =	sst s5;
	s6 =	sadd.s32 $0x1000, s0;
	s14 =	smul.u32 $0x2400, s16  }
0xa: {  	v0 =	vlaneseq.u32;
	s7 =	sadd.s32 $0x7E1000, s0;
	s8 =	sadd.s32 $0x7EA000, s0;
	s9 =	sadd.s32 $0x7F3000, s0  }
0xb: {  	s24 =	sshll.u32 s16, $0x6;
	v0 =	vmul.u32 $0x60, v0;
	s10 =	smul.u32 $0x24000, s1;
	s1 =	ssub.s32 $0x2, s1  }
0xc: {  	_ =	strace $0x8000004A;
	s11 =	sshrl.u32 s13, $0x3;
	s12 =	sshrl.u32 s1, $0x1  }
0xd: {  	s18 =	sadd.s32 s13, s3;
	s13 =	sadd.s32 s13, s4;
	s25 =	sadd.s32 s14, s3;
	v1 =	vor.u32 $0x1, v0;
	v2 =	vor.u32 $0x2, v0  }
0xe: {  	v3 =	vor.u32 $0x3, v0;
	v4 =	vor.u32 $0x4, v0;
	v5 =	vor.u32 $0x5, v0;
	s10 =	sadd.s32 s14, s10;
	s11 =	sadd.s32 s11, s0;
	s1 =	ssub.s32 s1, s12  }
0xf: {  	v6 =	vor.u32 $0x6, v0;
	v7 =	vor.u32 $0x7, v0;
	v8 =	vadd.s32 $0x600, v0;
	s12 =	sor.u32 $0x1C04, s24;
	[dreg:$0x5] =	wrdreg s25;
	s14 =	sadd.s32 s14, s4  }
0x10: {  	v9 =	vadd.s32 $0x601, v0;
	v10 =	vadd.s32 $0x602, v0;
	v11 =	vadd.s32 $0x603, v0;
	s18 =	sshrl.u32 s18, $0x3;
	s20 =	sshrl.u32 s13, $0x3;
	s24 =	simm.s32 $0x3180  }
0x11: {  	v12 =	vadd.s32 $0x604, v0;
	v13 =	vadd.s32 $0x605, v0;
	v14 =	vadd.s32 $0x606, v0;
	s25 =	simm.s32 $0x6180;
	s15 =	sshrl.u32 s10, $0x3;
	s11 =	sadd.s32 $0x361000, s11  }
0x12: {  	v15 =	vadd.s32 $0x607, v0;
	v16 =	vadd.s32 $0xC00, v0;
	v17 =	vadd.s32 $0xC01, v0;
	[dreg:$0x6] =	wrdreg s14;
	s0 =	sadd.s32 s15, s0;
	s26 =	sadd.s32 s2, s15  }
0x13: {  	v18 =	vadd.s32 $0xC02, v0;
	v19 =	vadd.s32 $0xC03, v0;
	v20 =	vadd.s32 $0xC04, v0;
	s17 =	smax.u32 s1, $0x1;
	[dreg:$0x7] =	wrdreg s26;
	s0 =	sadd.s32 $0x365A00, s0  }
0x14: {  	v21 =	vadd.s32 $0xC05, v0;
	v22 =	vadd.s32 $0xC06, v0;
	v23 =	vadd.s32 $0xC07, v0;
	s26 =	simm.s32 $0x1;
	[dreg:$0x8] =	wrdreg s0;
	s0 =	simm.s32 $0x0  }
.LBB2_1:
0x15: {  	[spmem:s18], [sflag:s12] =	dma.local [hbm:s11], $0x481  }
0x16: {  	_ =	swait.ge [sflag:s19], $0x481  }
0x17: {  	[sflag:s19] =	ssyncset.done $0x0  }
0x18: {  	[sflag:s19] =	ssyncadd.s32 $0xFFFFFB7F  }
0x19: {  	[spmem:s20], [sflag:s12] =	dma.local [hbm:s11], $0x481  }
0x1a: {  	_ =	swait.ge [sflag:s19], $0x481  }
0x1b: {  	[sflag:s19] =	ssyncset.done $0x0  }
0x1c: {  	[sflag:s19] =	ssyncadd.s32 $0xFFFFFB7F  }
0x1d: {  	s1 =	simm.s32 $0x0;
	[bflag:$0x0] =	sbarrier.arrive $0xFFFF  }
.LBB2_2:
0x1e: {  	s13 =	sshll.u32 s1, $0x7  }
0x1f: {  	s13 =	sadd.s32 s10, s13  }
0x20: {  	s13 =	sshrl.u32 s13, $0x3  }
0x21: {  	s14 =	sadd.s32 s7, s13  }
0x22: {  	[tilespmem:s5], [sflag:$0x4] =	stream.linear.gather [hbm4b:s14+s5], $0x80, $0x38;
	[tilespmem:$0x13B10] =	vst v63  }
0x23: {  	_ =	swait.ge [sflag:s19], $0x80  }
0x24: {  	[sflag:s19] =	ssyncset.done $0x0  }
0x25: {  	s16 =	sadd.s32 s8, s13;
	[sflag:s19] =	ssyncadd.s32 $0xFFFFFF80  }
0x26: {  	[tilespmem:s21], [sflag:$0x4] =	stream.linear.gather [hbm4b:s16+s5], $0x80, $0x38;
	[tilespmem:$0x13B10] =	vst v63  }
0x27: {  	_ =	swait.ge [sflag:s19], $0x80  }
0x28: {  	[sflag:s19] =	ssyncset.done $0x0  }
0x29: {  	s13 =	sadd.s32 s9, s13;
	[sflag:s19] =	ssyncadd.s32 $0xFFFFFF80  }
0x2a: {  	[tilespmem:s22], [sflag:$0x4] =	stream.linear.gather [hbm4b:s13+s5], $0x80, $0x38;
	[tilespmem:$0x13B10] =	vst v63  }
0x2b: {  	_ =	swait.ge [sflag:s19], $0x80  }
0x2c: {  	[sflag:s19] =	ssyncset.done $0x0  }
0x2d: {  	[sflag:s19] =	ssyncadd.s32 $0xFFFFFF80  }
0x2e: {  	[tilespmem:s23], [sflag:$0x1] =	stream.indirect.gather [hbm4b:s6+s21], $0x60, s5, s21, $0xb8;
	[tilespmem:$0x13B10] =	vst v63  }
0x2f: {  	_ = 	snop  }
0x30: {  	[tilespmem:s24], [sflag:$0x2] =	stream.indirect.gather [hbm4b:s6+s21], $0x60, s21, s21, $0xb8;
	[tilespmem:$0x13B10] =	vst v63  }
0x31: {  	_ = 	snop  }
0x32: {  	[tilespmem:s25], [sflag:$0x3] =	stream.indirect.gather [hbm4b:s2+s21], $0x1, s5, s21, $0xb8;
	[tilespmem:$0x13B10] =	vst v63  }
0x33: {  	_ =	swait.ge [sflag:s26], $0x3000  }
0x34: {  	[sflag:s26] =	ssyncset.done $0x0  }
0x35: {  	[sflag:s26] =	ssyncadd.s32 $0xFFFFD000  }
0x36: {  	v29 =	vimm.s32 $0x0;
	_ =	swait.ge [sflag:s28], $0x3000  }
0x37: {  	v24 =	vadd.s32 v0, v29;
	[sflag:s28] =	ssyncset.done $0x0  }
0x38: {  	[sflag:s28] =	ssyncadd.s32 $0xFFFFD000  }
0x39: {  	v25 =	vadd.s32 v1, v29;
	_ =	swait.ge [sflag:s29], $0x80  }
0x3a: {  	[sflag:s29] =	ssyncset.done $0x0  }
0x3b: {  	v26 =	vadd.s32 v2, v29;
	[sflag:s29] =	ssyncadd.s32 $0xFFFFFF80  }
0x3c: {  	v28 =	vld.idx.msk [tilespmem:v24+s23+$0x0], $0xffff  }
0x3d: {  	v30 =	vadd.s32 v3, v29;
	v24 =	vld.idx.msk [tilespmem:v24+s24+$0x0], $0xffff  }
0x3e: {  	v31 =	vld.idx.msk [tilespmem:v25+s23+$0x0], $0xffff  }
0x3f: {  	v32 =	vadd.s32 v4, v29;
	v35 =	vld.idx.msk [tilespmem:v25+s24+$0x0], $0xffff  }
0x40: {  	v38 =	vld.idx.msk [tilespmem:v26+s23+$0x0], $0xffff  }
0x41: {  	v37 =	vadd.s32 v5, v29;
	v39 =	vld.idx.msk [tilespmem:v26+s24+$0x0], $0xffff  }
0x42: {  	v26 =	vld.idx.msk [tilespmem:v30+s23+$0x0], $0xffff  }
0x43: {  	v27 =	vadd.s32 v6, v29;
	v33 =	vld.idx.msk [tilespmem:v30+s24+$0x0], $0xffff;
	v24 =	vsub.f32 v28, v24  }
0x44: {  	v25 =	vld.idx.msk [tilespmem:v32+s23+$0x0], $0xffff  }
0x45: {  	v34 =	vld.idx.msk [tilespmem:v32+s24+$0x0], $0xffff;
	v40 =	vsub.f32 v31, v35;
	v31 =	vadd.s32 v7, v29;
	v36 =	vmul.f32 v24, v24  }
0x46: {  	v63 =	vimm.f32 $0.0e+00;
	v28 =	vld.idx.msk [tilespmem:v37+s23+$0x0], $0xffff;
	v38 =	vsub.f32 v38, v39;
	v24 =	vadd.s32 $0x8, v29  }
0x47: {  	v35 =	vld.idx.msk [tilespmem:v37+s24+$0x0], $0xffff;
	v37 =	vmul.f32 v40, v40;
	v30 =	vadd.s32 v0, v24;
	v36 =	vadd.f32 v36, v63  }
0x48: {  	s13 =	simm.s32 $0xA;
	v32 =	vld.idx.msk [tilespmem:v27+s23+$0x0], $0xffff;
	v29 =	vadd.s32 v1, v24  }
.LBB2_3:
0x49: {  	p0 =	sne.s32 s13, $0x1;
	v36 =	vadd.f32 v37, v36;
	v37 =	vmul.f32 v38, v38;
	v26 =	vsub.f32 v26, v33;
	v27 =	vld.idx.msk [tilespmem:v27+s24+$0x0], $0xffff  }
0x4a: {  	v33 =	vadd.s32 v2, v24;
	v38 =	vld.idx.msk [tilespmem:v31+s23+$0x0], $0xffff  }
0x4b: {  	v25 =	vsub.f32 v25, v34;
	v36 =	vadd.f32 v37, v36;
	v26 =	vmul.f32 v26, v26;
	v31 =	vld.idx.msk [tilespmem:v31+s24+$0x0], $0xffff  }
0x4c: {  	v37 =	vadd.s32 v3, v24;
	v34 =	vld.idx.msk [tilespmem:v30+s23+$0x0], $0xffff  }
0x4d: {  	v25 =	vmul.f32 v25, v25;
	v28 =	vsub.f32 v28, v35;
	v30 =	vld.idx.msk [tilespmem:v30+s24+$0x0], $0xffff;
	v26 =	vadd.f32 v26, v36  }
0x4e: {  	v36 =	vadd.s32 v4, v24;
	v35 =	vld.idx.msk [tilespmem:v29+s23+$0x0], $0xffff  }
0x4f: {  	v27 =	vsub.f32 v32, v27;
	v29 =	vld.idx.msk [tilespmem:v29+s24+$0x0], $0xffff;
	v25 =	vadd.f32 v25, v26;
	v26 =	vmul.f32 v28, v28  }
0x50: {  	v39 =	vadd.s32 v5, v24;
	v32 =	vld.idx.msk [tilespmem:v33+s23+$0x0], $0xffff  }
0x51: {  	v28 =	vmul.f32 v27, v27;
	v31 =	vsub.f32 v38, v31;
	v40 =	vld.idx.msk [tilespmem:v33+s24+$0x0], $0xffff;
	v25 =	vadd.f32 v26, v25  }
0x52: {  	v27 =	vadd.s32 v6, v24;
	v26 =	vld.idx.msk [tilespmem:v37+s23+$0x0], $0xffff  }
0x53: {  	v30 =	vsub.f32 v34, v30;
	v33 =	vld.idx.msk [tilespmem:v37+s24+$0x0], $0xffff;
	v28 =	vadd.f32 v28, v25;
	v37 =	vmul.f32 v31, v31  }
.Ltmp0:
0x54: {  	v31 =	vadd.s32 v7, v24;
	v24 =	vadd.s32 $0x8, v24;
	v25 =	vld.idx.msk [tilespmem:v36+s23+$0x0], $0xffff;
	(pc) =	sbr.rel @p0 .LBB2_3-.Ltmp0, $4  }
0x55: {  	v38 =	vmul.f32 v30, v30;
	v29 =	vsub.f32 v35, v29;
	v34 =	vld.idx.msk [tilespmem:v36+s24+$0x0], $0xffff;
	v35 =	vadd.f32 v37, v28  }
0x56: {  	v30 =	vadd.s32 v0, v24;
	v28 =	vld.idx.msk [tilespmem:v39+s23+$0x0], $0xffff  }
0x57: {  	v37 =	vmul.f32 v29, v29;
	v36 =	vadd.f32 v38, v35;
	v38 =	vsub.f32 v32, v40;
	v35 =	vld.idx.msk [tilespmem:v39+s24+$0x0], $0xffff  }
0x58: {  	s13 =	sadd.s32 $0xFFFFFFFF, s13;
	v29 =	vadd.s32 v1, v24;
	v32 =	vld.idx.msk [tilespmem:v27+s23+$0x0], $0xffff  }
0x59: {  	_ =	sdelay $0x2  }
0x5a: {  	v36 =	vadd.f32 v37, v36;
	v46 =	vmul.f32 v38, v38;
	v26 =	vsub.f32 v26, v33  }
0x5b: {  	v27 =	vld.idx.msk [tilespmem:v27+s24+$0x0], $0xffff  }
0x5c: {  	v47 =	vld.idx.msk [tilespmem:v31+s23+$0x0], $0xffff;
	v25 =	vsub.f32 v25, v34;
	v36 =	vadd.f32 v46, v36;
	v26 =	vmul.f32 v26, v26  }
0x5d: {  	v48 =	vadd.s32 v2, v24;
	v31 =	vld.idx.msk [tilespmem:v31+s24+$0x0], $0xffff  }
0x5e: {  	v49 =	vld.idx.msk [tilespmem:v30+s23+$0x0], $0xffff;
	v25 =	vmul.f32 v25, v25;
	v28 =	vsub.f32 v28, v35;
	v26 =	vadd.f32 v26, v36  }
0x5f: {  	v50 =	vadd.s32 v3, v24;
	v30 =	vld.idx.msk [tilespmem:v30+s24+$0x0], $0xffff  }
0x60: {  	v51 =	vld.idx.msk [tilespmem:v29+s23+$0x0], $0xffff;
	v27 =	vsub.f32 v32, v27;
	v25 =	vadd.f32 v25, v26;
	v26 =	vmul.f32 v28, v28  }
0x61: {  	v29 =	vld.idx.msk [tilespmem:v29+s24+$0x0], $0xffff;
	v28 =	vadd.s32 v4, v24  }
0x62: {  	v52 =	vld.idx.msk [tilespmem:v48+s23+$0x0], $0xffff;
	v25 =	vadd.f32 v26, v25;
	v26 =	vmul.f32 v27, v27;
	v27 =	vsub.f32 v47, v31  }
0x63: {  	v53 =	vld.idx.msk [tilespmem:v48+s24+$0x0], $0xffff;
	v31 =	vadd.s32 v5, v24  }
0x64: {  	v54 =	vld.idx.msk [tilespmem:v50+s23+$0x0], $0xffff;
	v30 =	vsub.f32 v49, v30;
	v25 =	vadd.f32 v26, v25;
	v26 =	vmul.f32 v27, v27  }
0x65: {  	v35 =	vld.idx.msk [tilespmem:v50+s24+$0x0], $0xffff;
	v27 =	vadd.s32 v6, v24  }
0x66: {  	v29 =	vsub.f32 v51, v29;
	v30 =	vmul.f32 v30, v30;
	v55 =	vld.idx.msk [tilespmem:v28+s23+$0x0], $0xffff;
	v25 =	vadd.f32 v26, v25  }
0x67: {  	v24 =	vadd.s32 v7, v24;
	v26 =	vld.idx.msk [tilespmem:v28+s24+$0x0], $0xffff  }
0x68: {  	v29 =	vmul.f32 v29, v29;
	v28 =	vld.idx.msk [tilespmem:v31+s23+$0x0], $0xffff;
	v25 =	vadd.f32 v30, v25;
	v30 =	vsub.f32 v52, v53  }
0x69: {  	v31 =	vld.idx.msk [tilespmem:v31+s24+$0x0], $0xffff  }
0x6a: {  	v56 =	vld.idx.msk [tilespmem:v27+s23+$0x0], $0xffff;
	v25 =	vadd.f32 v29, v25;
	v29 =	vmul.f32 v30, v30;
	v30 =	vsub.f32 v54, v35  }
0x6b: {  	v27 =	vld.idx.msk [tilespmem:v27+s24+$0x0], $0xffff  }
0x6c: {  	v57 =	vld.idx.msk [tilespmem:v24+s23+$0x0], $0xffff;
	v26 =	vsub.f32 v55, v26;
	v25 =	vadd.f32 v29, v25;
	v29 =	vmul.f32 v30, v30  }
0x6d: {  	v24 =	vld.idx.msk [tilespmem:v24+s24+$0x0], $0xffff  }
0x6e: {  	v28 =	vsub.f32 v28, v31;
	v26 =	vmul.f32 v26, v26;
	v25 =	vadd.f32 v29, v25;
	_ =	sdelay $0x1  }
0x6f: {  	v27 =	vsub.f32 v56, v27;
	v25 =	vadd.f32 v26, v25;
	v26 =	vmul.f32 v28, v28;
	_ =	sdelay $0x1  }
0x70: {  	v24 =	vsub.f32 v57, v24;
	v25 =	vadd.f32 v26, v25;
	v26 =	vmul.f32 v27, v27;
	_ =	sdelay $0x1  }
0x71: {  	v24 =	vmul.f32 v24, v24;
	v25 =	vadd.f32 v26, v25;
	_ =	sdelay $0x1  }
0x72: {  	v24 =	vadd.f32 v24, v25;
	_ =	sdelay $0x1  }
0x73: {  	v24 =	vsub.f32 $0.0e+00, v24;
	_ =	sdelay $0x1  }
0x74: {  	v24 =	vmul.f32 $1.442695020e+00, v24;
	_ =	sdelay $0x1  }
0x75: {  	(erf) = vpow2.f32 v24;
	_ =	sdelay $0x4  }
0x76: {  	v24 =	vld [tilespmem:$0x6180];
	_ =	sdelay $0x1  }
0x77: {  	v29 =	vimm.s32 $0x0  }
0x78: {  	v25 =	vadd.s32 v8, v29  }
0x79: {  	v26 =	vpop (erf)  }
0x7a: {  	v27 =	vadd.s32 v9, v29;
	v24 =	vmul.f32 v24, v26  }
0x7b: {  	[tilespmem:$0x6200] =	vst v26  }
0x7c: {  	v30 =	vadd.s32 v11, v29;
	[tilespmem:$0x6280] =	vst v24  }
0x7d: {  	v24 =	vadd.s32 v10, v29;
	v28 =	vld.idx.msk [tilespmem:v25+s23+$0x0], $0xffff  }
0x7e: {  	v25 =	vld.idx.msk [tilespmem:v25+s24+$0x0], $0xffff  }
0x7f: {  	v31 =	vld.idx.msk [tilespmem:v27+s23+$0x0], $0xffff  }
0x80: {  	v58 =	vadd.s32 v12, v29;
	v59 =	vld.idx.msk [tilespmem:v27+s24+$0x0], $0xffff  }
0x81: {  	v61 =	vadd.s32 v13, v29;
	v26 =	vld.idx.msk [tilespmem:v30+s23+$0x0], $0xffff  }
0x82: {  	v60 =	vld.idx.msk [tilespmem:v24+s23+$0x0], $0xffff  }
0x83: {  	v39 =	vld.idx.msk [tilespmem:v24+s24+$0x0], $0xffff  }
0x84: {  	v27 =	vadd.s32 v14, v29;
	v33 =	vld.idx.msk [tilespmem:v30+s24+$0x0], $0xffff;
	v24 =	vsub.f32 v28, v25  }
0x85: {  	v34 =	vld.idx.msk [tilespmem:v58+s24+$0x0], $0xffff;
	v40 =	vsub.f32 v31, v59  }
0x86: {  	v35 =	vld.idx.msk [tilespmem:v61+s24+$0x0], $0xffff;
	v31 =	vadd.s32 v15, v29;
	v62 =	vmul.f32 v24, v24  }
0x87: {  	v63 =	vimm.f32 $0.0e+00;
	v25 =	vld.idx.msk [tilespmem:v58+s23+$0x0], $0xffff;
	v24 =	vadd.s32 $0x8, v29;
	v37 =	vmul.f32 v40, v40  }
0x88: {  	v28 =	vld.idx.msk [tilespmem:v61+s23+$0x0], $0xffff;
	v30 =	vadd.s32 v8, v24;
	v36 =	vadd.f32 v62, v63;
	v38 =	vsub.f32 v60, v39  }
0x89: {  	s13 =	simm.s32 $0xA;
	v32 =	vld.idx.msk [tilespmem:v27+s23+$0x0], $0xffff;
	v29 =	vadd.s32 v9, v24  }
.LBB2_5:
0x8a: {  	p0 =	sne.s32 s13, $0x1;
	v36 =	vadd.f32 v37, v36;
	v37 =	vmul.f32 v38, v38;
	v26 =	vsub.f32 v26, v33;
	v27 =	vld.idx.msk [tilespmem:v27+s24+$0x0], $0xffff  }
0x8b: {  	v33 =	vadd.s32 v10, v24;
	v38 =	vld.idx.msk [tilespmem:v31+s23+$0x0], $0xffff  }
0x8c: {  	v25 =	vsub.f32 v25, v34;
	v36 =	vadd.f32 v37, v36;
	v26 =	vmul.f32 v26, v26;
	v31 =	vld.idx.msk [tilespmem:v31+s24+$0x0], $0xffff  }
0x8d: {  	v37 =	vadd.s32 v11, v24;
	v34 =	vld.idx.msk [tilespmem:v30+s23+$0x0], $0xffff  }
0x8e: {  	v25 =	vmul.f32 v25, v25;
	v28 =	vsub.f32 v28, v35;
	v30 =	vld.idx.msk [tilespmem:v30+s24+$0x0], $0xffff;
	v26 =	vadd.f32 v26, v36  }
0x8f: {  	v36 =	vadd.s32 v12, v24;
	v35 =	vld.idx.msk [tilespmem:v29+s23+$0x0], $0xffff  }
0x90: {  	v27 =	vsub.f32 v32, v27;
	v29 =	vld.idx.msk [tilespmem:v29+s24+$0x0], $0xffff;
	v25 =	vadd.f32 v25, v26;
	v26 =	vmul.f32 v28, v28  }
0x91: {  	v39 =	vadd.s32 v13, v24;
	v32 =	vld.idx.msk [tilespmem:v33+s23+$0x0], $0xffff  }
0x92: {  	v28 =	vmul.f32 v27, v27;
	v31 =	vsub.f32 v38, v31;
	v40 =	vld.idx.msk [tilespmem:v33+s24+$0x0], $0xffff;
	v25 =	vadd.f32 v26, v25  }
0x93: {  	v27 =	vadd.s32 v14, v24;
	v26 =	vld.idx.msk [tilespmem:v37+s23+$0x0], $0xffff  }
0x94: {  	v30 =	vsub.f32 v34, v30;
	v33 =	vld.idx.msk [tilespmem:v37+s24+$0x0], $0xffff;
	v28 =	vadd.f32 v28, v25;
	v37 =	vmul.f32 v31, v31  }
.Ltmp1:
0x95: {  	v31 =	vadd.s32 v15, v24;
	v24 =	vadd.s32 $0x8, v24;
	v25 =	vld.idx.msk [tilespmem:v36+s23+$0x0], $0xffff;
	(pc) =	sbr.rel @p0 .LBB2_5-.Ltmp1, $4  }
0x96: {  	v38 =	vmul.f32 v30, v30;
	v29 =	vsub.f32 v35, v29;
	v34 =	vld.idx.msk [tilespmem:v36+s24+$0x0], $0xffff;
	v35 =	vadd.f32 v37, v28  }
0x97: {  	v30 =	vadd.s32 v8, v24;
	v28 =	vld.idx.msk [tilespmem:v39+s23+$0x0], $0xffff  }
0x98: {  	v37 =	vmul.f32 v29, v29;
	v36 =	vadd.f32 v38, v35;
	v38 =	vsub.f32 v32, v40;
	v35 =	vld.idx.msk [tilespmem:v39+s24+$0x0], $0xffff  }
0x99: {  	s13 =	sadd.s32 $0xFFFFFFFF, s13;
	v29 =	vadd.s32 v9, v24;
	v32 =	vld.idx.msk [tilespmem:v27+s23+$0x0], $0xffff  }
0x9a: {  	_ =	sdelay $0x2  }
0x9b: {  	v36 =	vadd.f32 v37, v36;
	v46 =	vmul.f32 v38, v38;
	v26 =	vsub.f32 v26, v33  }
0x9c: {  	v27 =	vld.idx.msk [tilespmem:v27+s24+$0x0], $0xffff  }
0x9d: {  	v47 =	vld.idx.msk [tilespmem:v31+s23+$0x0], $0xffff;
	v25 =	vsub.f32 v25, v34;
	v36 =	vadd.f32 v46, v36;
	v26 =	vmul.f32 v26, v26  }
0x9e: {  	v48 =	vadd.s32 v10, v24;
	v31 =	vld.idx.msk [tilespmem:v31+s24+$0x0], $0xffff  }
0x9f: {  	v49 =	vld.idx.msk [tilespmem:v30+s23+$0x0], $0xffff;
	v25 =	vmul.f32 v25, v25;
	v28 =	vsub.f32 v28, v35;
	v26 =	vadd.f32 v26, v36  }
0xa0: {  	v50 =	vadd.s32 v11, v24;
	v30 =	vld.idx.msk [tilespmem:v30+s24+$0x0], $0xffff  }
0xa1: {  	v51 =	vld.idx.msk [tilespmem:v29+s23+$0x0], $0xffff;
	v27 =	vsub.f32 v32, v27;
	v25 =	vadd.f32 v25, v26;
	v26 =	vmul.f32 v28, v28  }
0xa2: {  	v29 =	vld.idx.msk [tilespmem:v29+s24+$0x0], $0xffff;
	v28 =	vadd.s32 v12, v24  }
0xa3: {  	v52 =	vld.idx.msk [tilespmem:v48+s23+$0x0], $0xffff;
	v25 =	vadd.f32 v26, v25;
	v26 =	vmul.f32 v27, v27;
	v27 =	vsub.f32 v47, v31  }
0xa4: {  	v53 =	vld.idx.msk [tilespmem:v48+s24+$0x0], $0xffff;
	v31 =	vadd.s32 v13, v24  }
0xa5: {  	v54 =	vld.idx.msk [tilespmem:v50+s23+$0x0], $0xffff;
	v30 =	vsub.f32 v49, v30;
	v25 =	vadd.f32 v26, v25;
	v26 =	vmul.f32 v27, v27  }
0xa6: {  	v35 =	vld.idx.msk [tilespmem:v50+s24+$0x0], $0xffff;
	v27 =	vadd.s32 v14, v24  }
0xa7: {  	v29 =	vsub.f32 v51, v29;
	v30 =	vmul.f32 v30, v30;
	v55 =	vld.idx.msk [tilespmem:v28+s23+$0x0], $0xffff;
	v25 =	vadd.f32 v26, v25  }
0xa8: {  	v24 =	vadd.s32 v15, v24;
	v26 =	vld.idx.msk [tilespmem:v28+s24+$0x0], $0xffff  }
0xa9: {  	v29 =	vmul.f32 v29, v29;
	v28 =	vld.idx.msk [tilespmem:v31+s23+$0x0], $0xffff;
	v25 =	vadd.f32 v30, v25;
	v30 =	vsub.f32 v52, v53  }
0xaa: {  	v31 =	vld.idx.msk [tilespmem:v31+s24+$0x0], $0xffff  }
0xab: {  	v56 =	vld.idx.msk [tilespmem:v27+s23+$0x0], $0xffff;
	v25 =	vadd.f32 v29, v25;
	v29 =	vmul.f32 v30, v30;
	v30 =	vsub.f32 v54, v35  }
0xac: {  	v27 =	vld.idx.msk [tilespmem:v27+s24+$0x0], $0xffff  }
0xad: {  	v57 =	vld.idx.msk [tilespmem:v24+s23+$0x0], $0xffff;
	v26 =	vsub.f32 v55, v26;
	v25 =	vadd.f32 v29, v25;
	v29 =	vmul.f32 v30, v30  }
0xae: {  	v24 =	vld.idx.msk [tilespmem:v24+s24+$0x0], $0xffff  }
0xaf: {  	v28 =	vsub.f32 v28, v31;
	v26 =	vmul.f32 v26, v26;
	v25 =	vadd.f32 v29, v25;
	_ =	sdelay $0x1  }
0xb0: {  	v27 =	vsub.f32 v56, v27;
	v25 =	vadd.f32 v26, v25;
	v26 =	vmul.f32 v28, v28;
	_ =	sdelay $0x1  }
0xb1: {  	v24 =	vsub.f32 v57, v24;
	v25 =	vadd.f32 v26, v25;
	v26 =	vmul.f32 v27, v27;
	_ =	sdelay $0x1  }
0xb2: {  	v24 =	vmul.f32 v24, v24;
	v25 =	vadd.f32 v26, v25;
	_ =	sdelay $0x1  }
0xb3: {  	v24 =	vadd.f32 v24, v25;
	_ =	sdelay $0x1  }
0xb4: {  	v24 =	vsub.f32 $0.0e+00, v24;
	_ =	sdelay $0x1  }
0xb5: {  	v24 =	vmul.f32 $1.442695020e+00, v24;
	_ =	sdelay $0x1  }
0xb6: {  	(erf) = vpow2.f32 v24;
	_ =	sdelay $0x4  }
0xb7: {  	v24 =	vld [tilespmem:$0x6190];
	_ =	sdelay $0x1  }
0xb8: {  	v29 =	vimm.s32 $0x0  }
0xb9: {  	v25 =	vadd.s32 v16, v29  }
0xba: {  	v26 =	vpop (erf)  }
0xbb: {  	v27 =	vadd.s32 v17, v29;
	v24 =	vmul.f32 v24, v26  }
0xbc: {  	[tilespmem:$0x6210] =	vst v26  }
0xbd: {  	v30 =	vadd.s32 v19, v29;
	[tilespmem:$0x6290] =	vst v24  }
0xbe: {  	v24 =	vadd.s32 v18, v29;
	v28 =	vld.idx.msk [tilespmem:v25+s23+$0x0], $0xffff  }
0xbf: {  	v25 =	vld.idx.msk [tilespmem:v25+s24+$0x0], $0xffff  }
0xc0: {  	v31 =	vld.idx.msk [tilespmem:v27+s23+$0x0], $0xffff  }
0xc1: {  	v58 =	vadd.s32 v20, v29;
	v59 =	vld.idx.msk [tilespmem:v27+s24+$0x0], $0xffff  }
0xc2: {  	v61 =	vadd.s32 v21, v29;
	v26 =	vld.idx.msk [tilespmem:v30+s23+$0x0], $0xffff  }
0xc3: {  	v60 =	vld.idx.msk [tilespmem:v24+s23+$0x0], $0xffff  }
0xc4: {  	v39 =	vld.idx.msk [tilespmem:v24+s24+$0x0], $0xffff  }
0xc5: {  	v27 =	vadd.s32 v22, v29;
	v33 =	vld.idx.msk [tilespmem:v30+s24+$0x0], $0xffff;
	v24 =	vsub.f32 v28, v25  }
0xc6: {  	v34 =	vld.idx.msk [tilespmem:v58+s24+$0x0], $0xffff;
	v40 =	vsub.f32 v31, v59  }
0xc7: {  	v35 =	vld.idx.msk [tilespmem:v61+s24+$0x0], $0xffff;
	v31 =	vadd.s32 v23, v29;
	v62 =	vmul.f32 v24, v24  }
0xc8: {  	v63 =	vimm.f32 $0.0e+00;
	v25 =	vld.idx.msk [tilespmem:v58+s23+$0x0], $0xffff;
	v24 =	vadd.s32 $0x8, v29;
	v37 =	vmul.f32 v40, v40  }
0xc9: {  	v28 =	vld.idx.msk [tilespmem:v61+s23+$0x0], $0xffff;
	v30 =	vadd.s32 v16, v24;
	v36 =	vadd.f32 v62, v63;
	v38 =	vsub.f32 v60, v39  }
0xca: {  	s13 =	simm.s32 $0xA;
	v32 =	vld.idx.msk [tilespmem:v27+s23+$0x0], $0xffff;
	v29 =	vadd.s32 v17, v24  }
.LBB2_7:
0xcb: {  	p0 =	sne.s32 s13, $0x1;
	v36 =	vadd.f32 v37, v36;
	v37 =	vmul.f32 v38, v38;
	v26 =	vsub.f32 v26, v33;
	v27 =	vld.idx.msk [tilespmem:v27+s24+$0x0], $0xffff  }
0xcc: {  	v33 =	vadd.s32 v18, v24;
	v38 =	vld.idx.msk [tilespmem:v31+s23+$0x0], $0xffff  }
0xcd: {  	v25 =	vsub.f32 v25, v34;
	v36 =	vadd.f32 v37, v36;
	v26 =	vmul.f32 v26, v26;
	v31 =	vld.idx.msk [tilespmem:v31+s24+$0x0], $0xffff  }
0xce: {  	v37 =	vadd.s32 v19, v24;
	v34 =	vld.idx.msk [tilespmem:v30+s23+$0x0], $0xffff  }
0xcf: {  	v25 =	vmul.f32 v25, v25;
	v28 =	vsub.f32 v28, v35;
	v30 =	vld.idx.msk [tilespmem:v30+s24+$0x0], $0xffff;
	v26 =	vadd.f32 v26, v36  }
0xd0: {  	v36 =	vadd.s32 v20, v24;
	v35 =	vld.idx.msk [tilespmem:v29+s23+$0x0], $0xffff  }
0xd1: {  	v27 =	vsub.f32 v32, v27;
	v29 =	vld.idx.msk [tilespmem:v29+s24+$0x0], $0xffff;
	v25 =	vadd.f32 v25, v26;
	v26 =	vmul.f32 v28, v28  }
0xd2: {  	v39 =	vadd.s32 v21, v24;
	v32 =	vld.idx.msk [tilespmem:v33+s23+$0x0], $0xffff  }
0xd3: {  	v28 =	vmul.f32 v27, v27;
	v31 =	vsub.f32 v38, v31;
	v40 =	vld.idx.msk [tilespmem:v33+s24+$0x0], $0xffff;
	v25 =	vadd.f32 v26, v25  }
0xd4: {  	v27 =	vadd.s32 v22, v24;
	v26 =	vld.idx.msk [tilespmem:v37+s23+$0x0], $0xffff  }
0xd5: {  	v30 =	vsub.f32 v34, v30;
	v33 =	vld.idx.msk [tilespmem:v37+s24+$0x0], $0xffff;
	v28 =	vadd.f32 v28, v25;
	v37 =	vmul.f32 v31, v31  }
.Ltmp2:
0xd6: {  	v31 =	vadd.s32 v23, v24;
	v24 =	vadd.s32 $0x8, v24;
	v25 =	vld.idx.msk [tilespmem:v36+s23+$0x0], $0xffff;
	(pc) =	sbr.rel @p0 .LBB2_7-.Ltmp2, $4  }
0xd7: {  	v38 =	vmul.f32 v30, v30;
	v29 =	vsub.f32 v35, v29;
	v34 =	vld.idx.msk [tilespmem:v36+s24+$0x0], $0xffff;
	v35 =	vadd.f32 v37, v28  }
0xd8: {  	v30 =	vadd.s32 v16, v24;
	v28 =	vld.idx.msk [tilespmem:v39+s23+$0x0], $0xffff  }
0xd9: {  	v37 =	vmul.f32 v29, v29;
	v36 =	vadd.f32 v38, v35;
	v38 =	vsub.f32 v32, v40;
	v35 =	vld.idx.msk [tilespmem:v39+s24+$0x0], $0xffff  }
0xda: {  	s13 =	sadd.s32 $0xFFFFFFFF, s13;
	v29 =	vadd.s32 v17, v24;
	v32 =	vld.idx.msk [tilespmem:v27+s23+$0x0], $0xffff  }
0xdb: {  	_ =	sdelay $0x2  }
0xdc: {  	v36 =	vadd.f32 v37, v36;
	v48 =	vmul.f32 v38, v38;
	v26 =	vsub.f32 v26, v33  }
0xdd: {  	v27 =	vld.idx.msk [tilespmem:v27+s24+$0x0], $0xffff  }
0xde: {  	v49 =	vld.idx.msk [tilespmem:v31+s23+$0x0], $0xffff;
	v25 =	vsub.f32 v25, v34;
	v36 =	vadd.f32 v48, v36;
	v26 =	vmul.f32 v26, v26  }
0xdf: {  	v50 =	vadd.s32 v18, v24;
	v31 =	vld.idx.msk [tilespmem:v31+s24+$0x0], $0xffff  }
0xe0: {  	v51 =	vld.idx.msk [tilespmem:v30+s23+$0x0], $0xffff;
	v25 =	vmul.f32 v25, v25;
	v28 =	vsub.f32 v28, v35;
	v26 =	vadd.f32 v26, v36  }
0xe1: {  	v52 =	vadd.s32 v19, v24;
	v30 =	vld.idx.msk [tilespmem:v30+s24+$0x0], $0xffff  }
0xe2: {  	v53 =	vld.idx.msk [tilespmem:v29+s23+$0x0], $0xffff;
	v27 =	vsub.f32 v32, v27;
	v25 =	vadd.f32 v25, v26;
	v26 =	vmul.f32 v28, v28  }
0xe3: {  	v29 =	vld.idx.msk [tilespmem:v29+s24+$0x0], $0xffff;
	v28 =	vadd.s32 v20, v24  }
0xe4: {  	v54 =	vld.idx.msk [tilespmem:v50+s23+$0x0], $0xffff;
	v25 =	vadd.f32 v26, v25;
	v26 =	vmul.f32 v27, v27;
	v27 =	vsub.f32 v49, v31  }
0xe5: {  	v55 =	vld.idx.msk [tilespmem:v50+s24+$0x0], $0xffff;
	v31 =	vadd.s32 v21, v24  }
0xe6: {  	v56 =	vld.idx.msk [tilespmem:v52+s23+$0x0], $0xffff;
	v30 =	vsub.f32 v51, v30;
	v25 =	vadd.f32 v26, v25;
	v26 =	vmul.f32 v27, v27  }
0xe7: {  	v35 =	vld.idx.msk [tilespmem:v52+s24+$0x0], $0xffff;
	v27 =	vadd.s32 v22, v24  }
0xe8: {  	v29 =	vsub.f32 v53, v29;
	v30 =	vmul.f32 v30, v30;
	v57 =	vld.idx.msk [tilespmem:v28+s23+$0x0], $0xffff;
	v25 =	vadd.f32 v26, v25  }
0xe9: {  	v24 =	vadd.s32 v23, v24;
	v26 =	vld.idx.msk [tilespmem:v28+s24+$0x0], $0xffff  }
0xea: {  	v29 =	vmul.f32 v29, v29;
	v28 =	vld.idx.msk [tilespmem:v31+s23+$0x0], $0xffff;
	v25 =	vadd.f32 v30, v25;
	v30 =	vsub.f32 v54, v55  }
0xeb: {  	v31 =	vld.idx.msk [tilespmem:v31+s24+$0x0], $0xffff  }
0xec: {  	v58 =	vld.idx.msk [tilespmem:v27+s23+$0x0], $0xffff;
	v25 =	vadd.f32 v29, v25;
	v29 =	vmul.f32 v30, v30;
	v30 =	vsub.f32 v56, v35  }
0xed: {  	v27 =	vld.idx.msk [tilespmem:v27+s24+$0x0], $0xffff  }
0xee: {  	v59 =	vld.idx.msk [tilespmem:v24+s23+$0x0], $0xffff;
	v26 =	vsub.f32 v57, v26;
	v25 =	vadd.f32 v29, v25;
	v29 =	vmul.f32 v30, v30  }
0xef: {  	v24 =	vld.idx.msk [tilespmem:v24+s24+$0x0], $0xffff  }
0xf0: {  	v28 =	vsub.f32 v28, v31;
	v26 =	vmul.f32 v26, v26;
	v25 =	vadd.f32 v29, v25;
	_ =	sdelay $0x1  }
0xf1: {  	v27 =	vsub.f32 v58, v27;
	v25 =	vadd.f32 v26, v25;
	v26 =	vmul.f32 v28, v28;
	_ =	sdelay $0x1  }
0xf2: {  	v24 =	vsub.f32 v59, v24;
	v25 =	vadd.f32 v26, v25;
	v26 =	vmul.f32 v27, v27;
	_ =	sdelay $0x1  }
0xf3: {  	v24 =	vmul.f32 v24, v24;
	v25 =	vadd.f32 v26, v25;
	_ =	sdelay $0x1  }
0xf4: {  	v24 =	vadd.f32 v24, v25;
	_ =	sdelay $0x1  }
0xf5: {  	v24 =	vsub.f32 $0.0e+00, v24;
	_ =	sdelay $0x1  }
0xf6: {  	v24 =	vmul.f32 $1.442695020e+00, v24;
	_ =	sdelay $0x1  }
0xf7: {  	(erf) = vpow2.f32 v24;
	_ =	sdelay $0x4  }
0xf8: {  	v24 =	vld [tilespmem:$0x61A0];
	_ =	sdelay $0x1  }
0xf9: {  	v60 =	vimm.s32 $0x0;
	v32 =	vadd.s32 $0x1200, v0  }
0xfa: {  	v25 =	vadd.s32 v32, v60  }
0xfb: {  	v31 =	vadd.s32 $0x1201, v0;
	v26 =	vpop (erf)  }
0xfc: {  	v28 =	vadd.s32 v31, v60;
	v24 =	vmul.f32 v24, v26  }
0xfd: {  	v29 =	vadd.s32 $0x1203, v0;
	[tilespmem:$0x6220] =	vst v26  }
0xfe: {  	v62 =	vadd.s32 v29, v60;
	v27 =	vadd.s32 $0x1204, v0;
	[tilespmem:$0x62A0] =	vst v24  }
0xff: {  	v30 =	vadd.s32 $0x1202, v0;
	v39 =	vadd.s32 v27, v60;
	v61 =	vld.idx.msk [tilespmem:v25+s23+$0x0], $0xffff  }
0x100: {  	v24 =	vadd.s32 v30, v60;
	v25 =	vld.idx.msk [tilespmem:v25+s24+$0x0], $0xffff  }
0x101: {  	v63 =	vld.idx.msk [tilespmem:v28+s23+$0x0], $0xffff  }
0x102: {  	v40 =	vld.idx.msk [tilespmem:v28+s24+$0x0], $0xffff  }
0x103: {  	v33 =	vld.idx.msk [tilespmem:v62+s23+$0x0], $0xffff  }
0x104: {  	v26 =	vadd.s32 $0x1205, v0;
	v34 =	vld.idx.msk [tilespmem:v39+s23+$0x0], $0xffff  }
0x105: {  	v45 =	vadd.s32 v26, v60;
	v41 =	vld.idx.msk [tilespmem:v24+s23+$0x0], $0xffff  }
0x106: {  	v28 =	vadd.s32 $0x1206, v0;
	v44 =	vld.idx.msk [tilespmem:v24+s24+$0x0], $0xffff  }
0x107: {  	v42 =	vsub.f32 v61, v25;
	v46 =	vsub.f32 v63, v40;
	v40 =	vld.idx.msk [tilespmem:v39+s24+$0x0], $0xffff;
	v39 =	vadd.s32 v28, v60  }
0x108: {  	v38 =	vld.idx.msk [tilespmem:v62+s24+$0x0], $0xffff;
	v24 =	vadd.s32 $0x1207, v0  }
0x109: {  	v25 =	vadd.s32 $0x8, v60;
	v37 =	vadd.s32 v24, v60;
	v42 =	vmul.f32 v42, v42  }
0x10a: {  	v43 =	vimm.f32 $0.0e+00;
	v36 =	vld.idx.msk [tilespmem:v45+s23+$0x0], $0xffff;
	v35 =	vadd.s32 v32, v25  }
0x10b: {  	s13 =	simm.s32 $0xA;
	v42 =	vadd.f32 v42, v43;
	v43 =	vmul.f32 v46, v46;
	v44 =	vsub.f32 v41, v44;
	v41 =	vld.idx.msk [tilespmem:v45+s24+$0x0], $0xffff  }
.LBB2_9:
0x10c: {  	p0 =	sne.s32 s13, $0x1;
	v45 =	vadd.s32 v31, v25;
	v46 =	vld.idx.msk [tilespmem:v39+s23+$0x0], $0xffff  }
0x10d: {  	v33 =	vsub.f32 v33, v38;
	v42 =	vadd.f32 v43, v42;
	v43 =	vmul.f32 v44, v44;
	v38 =	vld.idx.msk [tilespmem:v39+s24+$0x0], $0xffff  }
0x10e: {  	v39 =	vadd.s32 v30, v25;
	v44 =	vld.idx.msk [tilespmem:v37+s23+$0x0], $0xffff  }
0x10f: {  	v33 =	vmul.f32 v33, v33;
	v34 =	vsub.f32 v34, v40;
	v42 =	vadd.f32 v43, v42;
	v37 =	vld.idx.msk [tilespmem:v37+s24+$0x0], $0xffff  }
0x110: {  	v43 =	vadd.s32 v29, v25;
	v40 =	vld.idx.msk [tilespmem:v35+s23+$0x0], $0xffff  }
0x111: {  	v34 =	vmul.f32 v34, v34;
	v36 =	vsub.f32 v36, v41;
	v35 =	vld.idx.msk [tilespmem:v35+s24+$0x0], $0xffff;
	v33 =	vadd.f32 v33, v42  }
0x112: {  	v42 =	vadd.s32 v27, v25;
	v41 =	vld.idx.msk [tilespmem:v45+s23+$0x0], $0xffff  }
0x113: {  	v45 =	vld.idx.msk [tilespmem:v45+s24+$0x0], $0xffff;
	v33 =	vadd.f32 v34, v33;
	v34 =	vmul.f32 v36, v36;
	v36 =	vsub.f32 v46, v38  }
0x114: {  	v47 =	vadd.s32 v26, v25;
	v46 =	vld.idx.msk [tilespmem:v39+s23+$0x0], $0xffff  }
0x115: {  	v37 =	vsub.f32 v44, v37;
	v48 =	vld.idx.msk [tilespmem:v39+s24+$0x0], $0xffff;
	v34 =	vadd.f32 v34, v33;
	v36 =	vmul.f32 v36, v36  }
0x116: {  	v39 =	vadd.s32 v28, v25;
	v33 =	vld.idx.msk [tilespmem:v43+s23+$0x0], $0xffff  }
.Ltmp3:
0x117: {  	v35 =	vsub.f32 v40, v35;
	v38 =	vld.idx.msk [tilespmem:v43+s24+$0x0], $0xffff;
	v36 =	vadd.f32 v36, v34;
	v43 =	vmul.f32 v37, v37;
	(pc) =	sbr.rel @p0 .LBB2_9-.Ltmp3, $4  }
0x118: {  	v37 =	vadd.s32 v24, v25;
	v25 =	vadd.s32 $0x8, v25;
	v34 =	vld.idx.msk [tilespmem:v42+s23+$0x0], $0xffff  }
0x119: {  	v44 =	vmul.f32 v35, v35;
	v41 =	vsub.f32 v41, v45;
	v40 =	vld.idx.msk [tilespmem:v42+s24+$0x0], $0xffff;
	v42 =	vadd.f32 v43, v36  }
0x11a: {  	v35 =	vadd.s32 v32, v25;
	v36 =	vld.idx.msk [tilespmem:v47+s23+$0x0], $0xffff  }
0x11b: {  	s13 =	sadd.s32 $0xFFFFFFFF, s13;
	v43 =	vmul.f32 v41, v41;
	v42 =	vadd.f32 v44, v42;
	v44 =	vsub.f32 v46, v48;
	v41 =	vld.idx.msk [tilespmem:v47+s24+$0x0], $0xffff  }
0x11c: {  	_ =	sdelay $0x3  }
0x11d: {  	v32 =	vld.idx.msk [tilespmem:v39+s23+$0x0], $0xffff;
	v33 =	vsub.f32 v33, v38;
	v42 =	vadd.f32 v43, v42;
	v59 =	vmul.f32 v44, v44  }
0x11e: {  	v31 =	vadd.s32 v31, v25;
	v60 =	vld.idx.msk [tilespmem:v39+s24+$0x0], $0xffff  }
0x11f: {  	v61 =	vld.idx.msk [tilespmem:v37+s23+$0x0], $0xffff;
	v33 =	vmul.f32 v33, v33;
	v34 =	vsub.f32 v34, v40;
	v42 =	vadd.f32 v59, v42  }
0x120: {  	v30 =	vadd.s32 v30, v25;
	v62 =	vld.idx.msk [tilespmem:v37+s24+$0x0], $0xffff  }
0x121: {  	v63 =	vld.idx.msk [tilespmem:v35+s23+$0x0], $0xffff;
	v34 =	vmul.f32 v34, v34;
	v36 =	vsub.f32 v36, v41;
	v33 =	vadd.f32 v33, v42  }
0x122: {  	v29 =	vadd.s32 v29, v25;
	v44 =	vld.idx.msk [tilespmem:v35+s24+$0x0], $0xffff  }
0x123: {  	v45 =	vld.idx.msk [tilespmem:v31+s23+$0x0], $0xffff;
	v32 =	vsub.f32 v32, v60;
	v46 =	vmul.f32 v36, v36;
	v33 =	vadd.f32 v34, v33  }
0x124: {  	v27 =	vadd.s32 v27, v25;
	v31 =	vld.idx.msk [tilespmem:v31+s24+$0x0], $0xffff  }
0x125: {  	v47 =	vld.idx.msk [tilespmem:v30+s23+$0x0], $0xffff;
	v48 =	vsub.f32 v61, v62;
	v32 =	vmul.f32 v32, v32;
	v33 =	vadd.f32 v46, v33  }
0x126: {  	v26 =	vadd.s32 v26, v25;
	v30 =	vld.idx.msk [tilespmem:v30+s24+$0x0], $0xffff  }
0x127: {  	v49 =	vld.idx.msk [tilespmem:v29+s23+$0x0], $0xffff;
	v35 =	vsub.f32 v63, v44;
	v50 =	vmul.f32 v48, v48;
	v32 =	vadd.f32 v32, v33  }
0x128: {  	v28 =	vadd.s32 v28, v25;
	v29 =	vld.idx.msk [tilespmem:v29+s24+$0x0], $0xffff  }
0x129: {  	v51 =	vld.idx.msk [tilespmem:v27+s23+$0x0], $0xffff;
	v35 =	vmul.f32 v35, v35;
	v31 =	vsub.f32 v45, v31;
	v32 =	vadd.f32 v50, v32  }
0x12a: {  	v24 =	vadd.s32 v24, v25;
	v25 =	vld.idx.msk [tilespmem:v27+s24+$0x0], $0xffff  }
0x12b: {  	v27 =	vld.idx.msk [tilespmem:v26+s23+$0x0], $0xffff;
	v30 =	vsub.f32 v47, v30;
	v31 =	vmul.f32 v31, v31;
	v32 =	vadd.f32 v35, v32  }
0x12c: {  	v26 =	vld.idx.msk [tilespmem:v26+s24+$0x0], $0xffff  }
0x12d: {  	v52 =	vld.idx.msk [tilespmem:v28+s23+$0x0], $0xffff;
	v29 =	vsub.f32 v49, v29;
	v30 =	vmul.f32 v30, v30;
	v31 =	vadd.f32 v31, v32  }
0x12e: {  	v28 =	vld.idx.msk [tilespmem:v28+s24+$0x0], $0xffff  }
0x12f: {  	v53 =	vld.idx.msk [tilespmem:v24+s23+$0x0], $0xffff;
	v25 =	vsub.f32 v51, v25;
	v29 =	vmul.f32 v29, v29;
	v30 =	vadd.f32 v30, v31  }
0x130: {  	v24 =	vld.idx.msk [tilespmem:v24+s24+$0x0], $0xffff  }
0x131: {  	v26 =	vsub.f32 v27, v26;
	v25 =	vmul.f32 v25, v25;
	v29 =	vadd.f32 v29, v30;
	_ =	sdelay $0x1  }
0x132: {  	v27 =	vsub.f32 v52, v28;
	v26 =	vmul.f32 v26, v26;
	v25 =	vadd.f32 v25, v29;
	_ =	sdelay $0x1  }
0x133: {  	v24 =	vsub.f32 v53, v24;
	v25 =	vadd.f32 v26, v25;
	v26 =	vmul.f32 v27, v27;
	_ =	sdelay $0x1  }
0x134: {  	v24 =	vmul.f32 v24, v24;
	v25 =	vadd.f32 v26, v25;
	_ =	sdelay $0x1  }
0x135: {  	v24 =	vadd.f32 v24, v25;
	_ =	sdelay $0x1  }
0x136: {  	v24 =	vsub.f32 $0.0e+00, v24;
	_ =	sdelay $0x1  }
0x137: {  	v24 =	vmul.f32 $1.442695020e+00, v24;
	_ =	sdelay $0x1  }
0x138: {  	(erf) = vpow2.f32 v24;
	_ =	sdelay $0x4  }
0x139: {  	v24 =	vld [tilespmem:$0x61B0];
	_ =	sdelay $0x1  }
0x13a: {  	v54 =	vimm.s32 $0x0;
	v32 =	vor.u32 $0x1800, v0  }
0x13b: {  	v25 =	vadd.s32 v32, v54  }
0x13c: {  	v31 =	vor.u32 $0x1801, v0;
	v26 =	vpop (erf)  }
0x13d: {  	v28 =	vadd.s32 v31, v54;
	v24 =	vmul.f32 v24, v26  }
0x13e: {  	v29 =	vor.u32 $0x1803, v0;
	[tilespmem:$0x6230] =	vst v26  }
0x13f: {  	v30 =	vor.u32 $0x1802, v0;
	v56 =	vadd.s32 v29, v54;
	[tilespmem:$0x62B0] =	vst v24  }
0x140: {  	v24 =	vadd.s32 v30, v54;
	v55 =	vld.idx.msk [tilespmem:v25+s23+$0x0], $0xffff  }
0x141: {  	v25 =	vld.idx.msk [tilespmem:v25+s24+$0x0], $0xffff  }
0x142: {  	v27 =	vor.u32 $0x1804, v0;
	v57 =	vld.idx.msk [tilespmem:v28+s23+$0x0], $0xffff  }
0x143: {  	v58 =	vadd.s32 v27, v54;
	v59 =	vld.idx.msk [tilespmem:v28+s24+$0x0], $0xffff  }
0x144: {  	v26 =	vor.u32 $0x1805, v0;
	v33 =	vld.idx.msk [tilespmem:v56+s23+$0x0], $0xffff  }
0x145: {  	v45 =	vadd.s32 v26, v54;
	v60 =	vld.idx.msk [tilespmem:v24+s23+$0x0], $0xffff  }
0x146: {  	v28 =	vor.u32 $0x1806, v0;
	v61 =	vld.idx.msk [tilespmem:v24+s24+$0x0], $0xffff  }
0x147: {  	v38 =	vld.idx.msk [tilespmem:v56+s24+$0x0], $0xffff;
	v39 =	vadd.s32 v28, v54;
	v62 =	vsub.f32 v55, v25  }
0x148: {  	v34 =	vld.idx.msk [tilespmem:v58+s23+$0x0], $0xffff;
	v24 =	vor.u32 $0x1807, v0;
	v25 =	vadd.s32 $0x8, v54  }
0x149: {  	v40 =	vld.idx.msk [tilespmem:v58+s24+$0x0], $0xffff;
	v46 =	vsub.f32 v57, v59;
	v37 =	vadd.s32 v24, v54;
	v42 =	vmul.f32 v62, v62  }
0x14a: {  	v63 =	vimm.f32 $0.0e+00;
	v36 =	vld.idx.msk [tilespmem:v45+s23+$0x0], $0xffff;
	v35 =	vadd.s32 v32, v25  }
0x14b: {  	s13 =	simm.s32 $0xA;
	v41 =	vld.idx.msk [tilespmem:v45+s24+$0x0], $0xffff;
	v43 =	vmul.f32 v46, v46;
	v42 =	vadd.f32 v42, v63;
	v44 =	vsub.f32 v60, v61  }
.LBB2_11:
0x14c: {  	p0 =	sne.s32 s13, $0x1;
	v45 =	vadd.s32 v31, v25;
	v46 =	vld.idx.msk [tilespmem:v39+s23+$0x0], $0xffff  }
0x14d: {  	v33 =	vsub.f32 v33, v38;
	v42 =	vadd.f32 v43, v42;
	v43 =	vmul.f32 v44, v44;
	v38 =	vld.idx.msk [tilespmem:v39+s24+$0x0], $0xffff  }
0x14e: {  	v39 =	vadd.s32 v30, v25;
	v44 =	vld.idx.msk [tilespmem:v37+s23+$0x0], $0xffff  }
0x14f: {  	v33 =	vmul.f32 v33, v33;
	v34 =	vsub.f32 v34, v40;
	v42 =	vadd.f32 v43, v42;
	v37 =	vld.idx.msk [tilespmem:v37+s24+$0x0], $0xffff  }
0x150: {  	v43 =	vadd.s32 v29, v25;
	v40 =	vld.idx.msk [tilespmem:v35+s23+$0x0], $0xffff  }
0x151: {  	v34 =	vmul.f32 v34, v34;
	v36 =	vsub.f32 v36, v41;
	v35 =	vld.idx.msk [tilespmem:v35+s24+$0x0], $0xffff;
	v33 =	vadd.f32 v33, v42  }
0x152: {  	v42 =	vadd.s32 v27, v25;
	v41 =	vld.idx.msk [tilespmem:v45+s23+$0x0], $0xffff  }
0x153: {  	v45 =	vld.idx.msk [tilespmem:v45+s24+$0x0], $0xffff;
	v33 =	vadd.f32 v34, v33;
	v34 =	vmul.f32 v36, v36;
	v36 =	vsub.f32 v46, v38  }
0x154: {  	v47 =	vadd.s32 v26, v25;
	v46 =	vld.idx.msk [tilespmem:v39+s23+$0x0], $0xffff  }
0x155: {  	v37 =	vsub.f32 v44, v37;
	v48 =	vld.idx.msk [tilespmem:v39+s24+$0x0], $0xffff;
	v34 =	vadd.f32 v34, v33;
	v36 =	vmul.f32 v36, v36  }
0x156: {  	v39 =	vadd.s32 v28, v25;
	v33 =	vld.idx.msk [tilespmem:v43+s23+$0x0], $0xffff  }
.Ltmp4:
0x157: {  	v35 =	vsub.f32 v40, v35;
	v38 =	vld.idx.msk [tilespmem:v43+s24+$0x0], $0xffff;
	v36 =	vadd.f32 v36, v34;
	v43 =	vmul.f32 v37, v37;
	(pc) =	sbr.rel @p0 .LBB2_11-.Ltmp4, $4  }
0x158: {  	v37 =	vadd.s32 v24, v25;
	v25 =	vadd.s32 $0x8, v25;
	v34 =	vld.idx.msk [tilespmem:v42+s23+$0x0], $0xffff  }
0x159: {  	v44 =	vmul.f32 v35, v35;
	v41 =	vsub.f32 v41, v45;
	v40 =	vld.idx.msk [tilespmem:v42+s24+$0x0], $0xffff;
	v42 =	vadd.f32 v43, v36  }
0x15a: {  	v35 =	vadd.s32 v32, v25;
	v36 =	vld.idx.msk [tilespmem:v47+s23+$0x0], $0xffff  }
0x15b: {  	s13 =	sadd.s32 $0xFFFFFFFF, s13;
	v43 =	vmul.f32 v41, v41;
	v42 =	vadd.f32 v44, v42;
	v44 =	vsub.f32 v46, v48;
	v41 =	vld.idx.msk [tilespmem:v47+s24+$0x0], $0xffff  }
0x15c: {  	_ =	sdelay $0x3  }
0x15d: {  	v32 =	vld.idx.msk [tilespmem:v39+s23+$0x0], $0xffff;
	v33 =	vsub.f32 v33, v38;
	v42 =	vadd.f32 v43, v42;
	v59 =	vmul.f32 v44, v44  }
0x15e: {  	v31 =	vadd.s32 v31, v25;
	v60 =	vld.idx.msk [tilespmem:v39+s24+$0x0], $0xffff  }
0x15f: {  	v61 =	vld.idx.msk [tilespmem:v37+s23+$0x0], $0xffff;
	v33 =	vmul.f32 v33, v33;
	v34 =	vsub.f32 v34, v40;
	v42 =	vadd.f32 v59, v42  }
0x160: {  	v30 =	vadd.s32 v30, v25;
	v62 =	vld.idx.msk [tilespmem:v37+s24+$0x0], $0xffff  }
0x161: {  	v63 =	vld.idx.msk [tilespmem:v35+s23+$0x0], $0xffff;
	v34 =	vmul.f32 v34, v34;
	v36 =	vsub.f32 v36, v41;
	v33 =	vadd.f32 v33, v42  }
0x162: {  	v29 =	vadd.s32 v29, v25;
	v44 =	vld.idx.msk [tilespmem:v35+s24+$0x0], $0xffff  }
0x163: {  	v45 =	vld.idx.msk [tilespmem:v31+s23+$0x0], $0xffff;
	v32 =	vsub.f32 v32, v60;
	v46 =	vmul.f32 v36, v36;
	v33 =	vadd.f32 v34, v33  }
0x164: {  	v27 =	vadd.s32 v27, v25;
	v31 =	vld.idx.msk [tilespmem:v31+s24+$0x0], $0xffff  }
0x165: {  	v47 =	vld.idx.msk [tilespmem:v30+s23+$0x0], $0xffff;
	v48 =	vsub.f32 v61, v62;
	v32 =	vmul.f32 v32, v32;
	v33 =	vadd.f32 v46, v33  }
0x166: {  	v26 =	vadd.s32 v26, v25;
	v30 =	vld.idx.msk [tilespmem:v30+s24+$0x0], $0xffff  }
0x167: {  	v49 =	vld.idx.msk [tilespmem:v29+s23+$0x0], $0xffff;
	v35 =	vsub.f32 v63, v44;
	v50 =	vmul.f32 v48, v48;
	v32 =	vadd.f32 v32, v33  }
0x168: {  	v28 =	vadd.s32 v28, v25;
	v29 =	vld.idx.msk [tilespmem:v29+s24+$0x0], $0xffff  }
0x169: {  	v51 =	vld.idx.msk [tilespmem:v27+s23+$0x0], $0xffff;
	v35 =	vmul.f32 v35, v35;
	v31 =	vsub.f32 v45, v31;
	v32 =	vadd.f32 v50, v32  }
0x16a: {  	v24 =	vadd.s32 v24, v25;
	v25 =	vld.idx.msk [tilespmem:v27+s24+$0x0], $0xffff  }
0x16b: {  	v27 =	vld.idx.msk [tilespmem:v26+s23+$0x0], $0xffff;
	v30 =	vsub.f32 v47, v30;
	v31 =	vmul.f32 v31, v31;
	v32 =	vadd.f32 v35, v32  }
0x16c: {  	v26 =	vld.idx.msk [tilespmem:v26+s24+$0x0], $0xffff  }
0x16d: {  	v52 =	vld.idx.msk [tilespmem:v28+s23+$0x0], $0xffff;
	v29 =	vsub.f32 v49, v29;
	v30 =	vmul.f32 v30, v30;
	v31 =	vadd.f32 v31, v32  }
0x16e: {  	v28 =	vld.idx.msk [tilespmem:v28+s24+$0x0], $0xffff  }
0x16f: {  	v53 =	vld.idx.msk [tilespmem:v24+s23+$0x0], $0xffff;
	v25 =	vsub.f32 v51, v25;
	v29 =	vmul.f32 v29, v29;
	v30 =	vadd.f32 v30, v31  }
0x170: {  	v24 =	vld.idx.msk [tilespmem:v24+s24+$0x0], $0xffff  }
0x171: {  	v26 =	vsub.f32 v27, v26;
	v25 =	vmul.f32 v25, v25;
	v29 =	vadd.f32 v29, v30;
	_ =	sdelay $0x1  }
0x172: {  	v27 =	vsub.f32 v52, v28;
	v26 =	vmul.f32 v26, v26;
	v25 =	vadd.f32 v25, v29;
	_ =	sdelay $0x1  }
0x173: {  	v24 =	vsub.f32 v53, v24;
	v25 =	vadd.f32 v26, v25;
	v26 =	vmul.f32 v27, v27;
	_ =	sdelay $0x1  }
0x174: {  	v24 =	vmul.f32 v24, v24;
	v25 =	vadd.f32 v26, v25;
	_ =	sdelay $0x1  }
0x175: {  	v24 =	vadd.f32 v24, v25;
	_ =	sdelay $0x1  }
0x176: {  	v24 =	vsub.f32 $0.0e+00, v24;
	_ =	sdelay $0x1  }
0x177: {  	v24 =	vmul.f32 $1.442695020e+00, v24;
	_ =	sdelay $0x1  }
0x178: {  	(erf) = vpow2.f32 v24;
	_ =	sdelay $0x4  }
0x179: {  	v24 =	vld [tilespmem:$0x61C0];
	_ =	sdelay $0x1  }
0x17a: {  	v54 =	vimm.s32 $0x0;
	v32 =	vadd.s32 $0x1E00, v0  }
0x17b: {  	v25 =	vadd.s32 v32, v54  }
0x17c: {  	v31 =	vadd.s32 $0x1E01, v0;
	v26 =	vpop (erf)  }
0x17d: {  	v28 =	vadd.s32 v31, v54;
	v24 =	vmul.f32 v24, v26  }
0x17e: {  	v29 =	vadd.s32 $0x1E03, v0;
	[tilespmem:$0x6240] =	vst v26  }
0x17f: {  	v30 =	vadd.s32 $0x1E02, v0;
	v56 =	vadd.s32 v29, v54;
	[tilespmem:$0x62C0] =	vst v24  }
0x180: {  	v24 =	vadd.s32 v30, v54;
	v55 =	vld.idx.msk [tilespmem:v25+s23+$0x0], $0xffff  }
0x181: {  	v25 =	vld.idx.msk [tilespmem:v25+s24+$0x0], $0xffff  }
0x182: {  	v27 =	vadd.s32 $0x1E04, v0;
	v57 =	vld.idx.msk [tilespmem:v28+s23+$0x0], $0xffff  }
0x183: {  	v58 =	vadd.s32 v27, v54;
	v59 =	vld.idx.msk [tilespmem:v28+s24+$0x0], $0xffff  }
0x184: {  	v26 =	vadd.s32 $0x1E05, v0;
	v33 =	vld.idx.msk [tilespmem:v56+s23+$0x0], $0xffff  }
0x185: {  	v45 =	vadd.s32 v26, v54;
	v60 =	vld.idx.msk [tilespmem:v24+s23+$0x0], $0xffff  }
0x186: {  	v28 =	vadd.s32 $0x1E06, v0;
	v61 =	vld.idx.msk [tilespmem:v24+s24+$0x0], $0xffff  }
0x187: {  	v38 =	vld.idx.msk [tilespmem:v56+s24+$0x0], $0xffff;
	v39 =	vadd.s32 v28, v54;
	v62 =	vsub.f32 v55, v25  }
0x188: {  	v34 =	vld.idx.msk [tilespmem:v58+s23+$0x0], $0xffff;
	v24 =	vadd.s32 $0x1E07, v0;
	v25 =	vadd.s32 $0x8, v54  }
0x189: {  	v40 =	vld.idx.msk [tilespmem:v58+s24+$0x0], $0xffff;
	v46 =	vsub.f32 v57, v59;
	v37 =	vadd.s32 v24, v54;
	v42 =	vmul.f32 v62, v62  }
0x18a: {  	v63 =	vimm.f32 $0.0e+00;
	v36 =	vld.idx.msk [tilespmem:v45+s23+$0x0], $0xffff;
	v35 =	vadd.s32 v32, v25  }
0x18b: {  	s13 =	simm.s32 $0xA;
	v41 =	vld.idx.msk [tilespmem:v45+s24+$0x0], $0xffff;
	v43 =	vmul.f32 v46, v46;
	v42 =	vadd.f32 v42, v63;
	v44 =	vsub.f32 v60, v61  }
.LBB2_13:
0x18c: {  	p0 =	sne.s32 s13, $0x1;
	v45 =	vadd.s32 v31, v25;
	v46 =	vld.idx.msk [tilespmem:v39+s23+$0x0], $0xffff  }
0x18d: {  	v33 =	vsub.f32 v33, v38;
	v42 =	vadd.f32 v43, v42;
	v43 =	vmul.f32 v44, v44;
	v38 =	vld.idx.msk [tilespmem:v39+s24+$0x0], $0xffff  }
0x18e: {  	v39 =	vadd.s32 v30, v25;
	v44 =	vld.idx.msk [tilespmem:v37+s23+$0x0], $0xffff  }
0x18f: {  	v33 =	vmul.f32 v33, v33;
	v34 =	vsub.f32 v34, v40;
	v42 =	vadd.f32 v43, v42;
	v37 =	vld.idx.msk [tilespmem:v37+s24+$0x0], $0xffff  }
0x190: {  	v43 =	vadd.s32 v29, v25;
	v40 =	vld.idx.msk [tilespmem:v35+s23+$0x0], $0xffff  }
0x191: {  	v34 =	vmul.f32 v34, v34;
	v36 =	vsub.f32 v36, v41;
	v35 =	vld.idx.msk [tilespmem:v35+s24+$0x0], $0xffff;
	v33 =	vadd.f32 v33, v42  }
0x192: {  	v42 =	vadd.s32 v27, v25;
	v41 =	vld.idx.msk [tilespmem:v45+s23+$0x0], $0xffff  }
0x193: {  	v45 =	vld.idx.msk [tilespmem:v45+s24+$0x0], $0xffff;
	v33 =	vadd.f32 v34, v33;
	v34 =	vmul.f32 v36, v36;
	v36 =	vsub.f32 v46, v38  }
0x194: {  	v47 =	vadd.s32 v26, v25;
	v46 =	vld.idx.msk [tilespmem:v39+s23+$0x0], $0xffff  }
0x195: {  	v37 =	vsub.f32 v44, v37;
	v48 =	vld.idx.msk [tilespmem:v39+s24+$0x0], $0xffff;
	v34 =	vadd.f32 v34, v33;
	v36 =	vmul.f32 v36, v36  }
0x196: {  	v39 =	vadd.s32 v28, v25;
	v33 =	vld.idx.msk [tilespmem:v43+s23+$0x0], $0xffff  }
.Ltmp5:
0x197: {  	v35 =	vsub.f32 v40, v35;
	v38 =	vld.idx.msk [tilespmem:v43+s24+$0x0], $0xffff;
	v36 =	vadd.f32 v36, v34;
	v43 =	vmul.f32 v37, v37;
	(pc) =	sbr.rel @p0 .LBB2_13-.Ltmp5, $4  }
0x198: {  	v37 =	vadd.s32 v24, v25;
	v25 =	vadd.s32 $0x8, v25;
	v34 =	vld.idx.msk [tilespmem:v42+s23+$0x0], $0xffff  }
0x199: {  	v44 =	vmul.f32 v35, v35;
	v41 =	vsub.f32 v41, v45;
	v40 =	vld.idx.msk [tilespmem:v42+s24+$0x0], $0xffff;
	v42 =	vadd.f32 v43, v36  }
0x19a: {  	v35 =	vadd.s32 v32, v25;
	v36 =	vld.idx.msk [tilespmem:v47+s23+$0x0], $0xffff  }
0x19b: {  	s13 =	sadd.s32 $0xFFFFFFFF, s13;
	v43 =	vmul.f32 v41, v41;
	v42 =	vadd.f32 v44, v42;
	v44 =	vsub.f32 v46, v48;
	v41 =	vld.idx.msk [tilespmem:v47+s24+$0x0], $0xffff  }
0x19c: {  	_ =	sdelay $0x3  }
0x19d: {  	v32 =	vld.idx.msk [tilespmem:v39+s23+$0x0], $0xffff;
	v33 =	vsub.f32 v33, v38;
	v42 =	vadd.f32 v43, v42;
	v59 =	vmul.f32 v44, v44  }
0x19e: {  	v31 =	vadd.s32 v31, v25;
	v60 =	vld.idx.msk [tilespmem:v39+s24+$0x0], $0xffff  }
0x19f: {  	v61 =	vld.idx.msk [tilespmem:v37+s23+$0x0], $0xffff;
	v33 =	vmul.f32 v33, v33;
	v34 =	vsub.f32 v34, v40;
	v42 =	vadd.f32 v59, v42  }
0x1a0: {  	v30 =	vadd.s32 v30, v25;
	v62 =	vld.idx.msk [tilespmem:v37+s24+$0x0], $0xffff  }
0x1a1: {  	v63 =	vld.idx.msk [tilespmem:v35+s23+$0x0], $0xffff;
	v34 =	vmul.f32 v34, v34;
	v36 =	vsub.f32 v36, v41;
	v33 =	vadd.f32 v33, v42  }
0x1a2: {  	v29 =	vadd.s32 v29, v25;
	v44 =	vld.idx.msk [tilespmem:v35+s24+$0x0], $0xffff  }
0x1a3: {  	v45 =	vld.idx.msk [tilespmem:v31+s23+$0x0], $0xffff;
	v32 =	vsub.f32 v32, v60;
	v46 =	vmul.f32 v36, v36;
	v33 =	vadd.f32 v34, v33  }
0x1a4: {  	v27 =	vadd.s32 v27, v25;
	v31 =	vld.idx.msk [tilespmem:v31+s24+$0x0], $0xffff  }
0x1a5: {  	v47 =	vld.idx.msk [tilespmem:v30+s23+$0x0], $0xffff;
	v48 =	vsub.f32 v61, v62;
	v32 =	vmul.f32 v32, v32;
	v33 =	vadd.f32 v46, v33  }
0x1a6: {  	v26 =	vadd.s32 v26, v25;
	v30 =	vld.idx.msk [tilespmem:v30+s24+$0x0], $0xffff  }
0x1a7: {  	v49 =	vld.idx.msk [tilespmem:v29+s23+$0x0], $0xffff;
	v35 =	vsub.f32 v63, v44;
	v50 =	vmul.f32 v48, v48;
	v32 =	vadd.f32 v32, v33  }
0x1a8: {  	v28 =	vadd.s32 v28, v25;
	v29 =	vld.idx.msk [tilespmem:v29+s24+$0x0], $0xffff  }
0x1a9: {  	v51 =	vld.idx.msk [tilespmem:v27+s23+$0x0], $0xffff;
	v35 =	vmul.f32 v35, v35;
	v31 =	vsub.f32 v45, v31;
	v32 =	vadd.f32 v50, v32  }
0x1aa: {  	v24 =	vadd.s32 v24, v25;
	v25 =	vld.idx.msk [tilespmem:v27+s24+$0x0], $0xffff  }
0x1ab: {  	v27 =	vld.idx.msk [tilespmem:v26+s23+$0x0], $0xffff;
	v30 =	vsub.f32 v47, v30;
	v31 =	vmul.f32 v31, v31;
	v32 =	vadd.f32 v35, v32  }
0x1ac: {  	v26 =	vld.idx.msk [tilespmem:v26+s24+$0x0], $0xffff  }
0x1ad: {  	v52 =	vld.idx.msk [tilespmem:v28+s23+$0x0], $0xffff;
	v29 =	vsub.f32 v49, v29;
	v30 =	vmul.f32 v30, v30;
	v31 =	vadd.f32 v31, v32  }
0x1ae: {  	v28 =	vld.idx.msk [tilespmem:v28+s24+$0x0], $0xffff  }
0x1af: {  	v53 =	vld.idx.msk [tilespmem:v24+s23+$0x0], $0xffff;
	v25 =	vsub.f32 v51, v25;
	v29 =	vmul.f32 v29, v29;
	v30 =	vadd.f32 v30, v31  }
0x1b0: {  	v24 =	vld.idx.msk [tilespmem:v24+s24+$0x0], $0xffff  }
0x1b1: {  	v26 =	vsub.f32 v27, v26;
	v25 =	vmul.f32 v25, v25;
	v29 =	vadd.f32 v29, v30;
	_ =	sdelay $0x1  }
0x1b2: {  	v27 =	vsub.f32 v52, v28;
	v26 =	vmul.f32 v26, v26;
	v25 =	vadd.f32 v25, v29;
	_ =	sdelay $0x1  }
0x1b3: {  	v24 =	vsub.f32 v53, v24;
	v25 =	vadd.f32 v26, v25;
	v26 =	vmul.f32 v27, v27;
	_ =	sdelay $0x1  }
0x1b4: {  	v24 =	vmul.f32 v24, v24;
	v25 =	vadd.f32 v26, v25;
	_ =	sdelay $0x1  }
0x1b5: {  	v24 =	vadd.f32 v24, v25;
	_ =	sdelay $0x1  }
0x1b6: {  	v24 =	vsub.f32 $0.0e+00, v24;
	_ =	sdelay $0x1  }
0x1b7: {  	v24 =	vmul.f32 $1.442695020e+00, v24;
	_ =	sdelay $0x1  }
0x1b8: {  	(erf) = vpow2.f32 v24;
	_ =	sdelay $0x4  }
0x1b9: {  	v24 =	vld [tilespmem:$0x61D0];
	_ =	sdelay $0x1  }
0x1ba: {  	v54 =	vimm.s32 $0x0;
	v32 =	vadd.s32 $0x2400, v0  }
0x1bb: {  	v25 =	vadd.s32 v32, v54  }
0x1bc: {  	v31 =	vadd.s32 $0x2401, v0;
	v26 =	vpop (erf)  }
0x1bd: {  	v28 =	vadd.s32 v31, v54;
	v24 =	vmul.f32 v24, v26  }
0x1be: {  	v29 =	vadd.s32 $0x2403, v0;
	[tilespmem:$0x6250] =	vst v26  }
0x1bf: {  	v30 =	vadd.s32 $0x2402, v0;
	v56 =	vadd.s32 v29, v54;
	[tilespmem:$0x62D0] =	vst v24  }
0x1c0: {  	v24 =	vadd.s32 v30, v54;
	v55 =	vld.idx.msk [tilespmem:v25+s23+$0x0], $0xffff  }
0x1c1: {  	v25 =	vld.idx.msk [tilespmem:v25+s24+$0x0], $0xffff  }
0x1c2: {  	v27 =	vadd.s32 $0x2404, v0;
	v57 =	vld.idx.msk [tilespmem:v28+s23+$0x0], $0xffff  }
0x1c3: {  	v58 =	vadd.s32 v27, v54;
	v59 =	vld.idx.msk [tilespmem:v28+s24+$0x0], $0xffff  }
0x1c4: {  	v26 =	vadd.s32 $0x2405, v0;
	v33 =	vld.idx.msk [tilespmem:v56+s23+$0x0], $0xffff  }
0x1c5: {  	v45 =	vadd.s32 v26, v54;
	v60 =	vld.idx.msk [tilespmem:v24+s23+$0x0], $0xffff  }
0x1c6: {  	v28 =	vadd.s32 $0x2406, v0;
	v61 =	vld.idx.msk [tilespmem:v24+s24+$0x0], $0xffff  }
0x1c7: {  	v38 =	vld.idx.msk [tilespmem:v56+s24+$0x0], $0xffff;
	v39 =	vadd.s32 v28, v54;
	v62 =	vsub.f32 v55, v25  }
0x1c8: {  	v34 =	vld.idx.msk [tilespmem:v58+s23+$0x0], $0xffff;
	v24 =	vadd.s32 $0x2407, v0;
	v25 =	vadd.s32 $0x8, v54  }
0x1c9: {  	v40 =	vld.idx.msk [tilespmem:v58+s24+$0x0], $0xffff;
	v46 =	vsub.f32 v57, v59;
	v37 =	vadd.s32 v24, v54;
	v42 =	vmul.f32 v62, v62  }
0x1ca: {  	v63 =	vimm.f32 $0.0e+00;
	v36 =	vld.idx.msk [tilespmem:v45+s23+$0x0], $0xffff;
	v35 =	vadd.s32 v32, v25  }
0x1cb: {  	s13 =	simm.s32 $0xA;
	v41 =	vld.idx.msk [tilespmem:v45+s24+$0x0], $0xffff;
	v43 =	vmul.f32 v46, v46;
	v42 =	vadd.f32 v42, v63;
	v44 =	vsub.f32 v60, v61  }
.LBB2_15:
0x1cc: {  	p0 =	sne.s32 s13, $0x1;
	v45 =	vadd.s32 v31, v25;
	v46 =	vld.idx.msk [tilespmem:v39+s23+$0x0], $0xffff  }
0x1cd: {  	v33 =	vsub.f32 v33, v38;
	v42 =	vadd.f32 v43, v42;
	v43 =	vmul.f32 v44, v44;
	v38 =	vld.idx.msk [tilespmem:v39+s24+$0x0], $0xffff  }
0x1ce: {  	v39 =	vadd.s32 v30, v25;
	v44 =	vld.idx.msk [tilespmem:v37+s23+$0x0], $0xffff  }
0x1cf: {  	v33 =	vmul.f32 v33, v33;
	v34 =	vsub.f32 v34, v40;
	v42 =	vadd.f32 v43, v42;
	v37 =	vld.idx.msk [tilespmem:v37+s24+$0x0], $0xffff  }
0x1d0: {  	v43 =	vadd.s32 v29, v25;
	v40 =	vld.idx.msk [tilespmem:v35+s23+$0x0], $0xffff  }
0x1d1: {  	v34 =	vmul.f32 v34, v34;
	v36 =	vsub.f32 v36, v41;
	v35 =	vld.idx.msk [tilespmem:v35+s24+$0x0], $0xffff;
	v33 =	vadd.f32 v33, v42  }
0x1d2: {  	v42 =	vadd.s32 v27, v25;
	v41 =	vld.idx.msk [tilespmem:v45+s23+$0x0], $0xffff  }
0x1d3: {  	v45 =	vld.idx.msk [tilespmem:v45+s24+$0x0], $0xffff;
	v33 =	vadd.f32 v34, v33;
	v34 =	vmul.f32 v36, v36;
	v36 =	vsub.f32 v46, v38  }
0x1d4: {  	v47 =	vadd.s32 v26, v25;
	v46 =	vld.idx.msk [tilespmem:v39+s23+$0x0], $0xffff  }
0x1d5: {  	v37 =	vsub.f32 v44, v37;
	v48 =	vld.idx.msk [tilespmem:v39+s24+$0x0], $0xffff;
	v34 =	vadd.f32 v34, v33;
	v36 =	vmul.f32 v36, v36  }
0x1d6: {  	v39 =	vadd.s32 v28, v25;
	v33 =	vld.idx.msk [tilespmem:v43+s23+$0x0], $0xffff  }
.Ltmp6:
0x1d7: {  	v35 =	vsub.f32 v40, v35;
	v38 =	vld.idx.msk [tilespmem:v43+s24+$0x0], $0xffff;
	v36 =	vadd.f32 v36, v34;
	v43 =	vmul.f32 v37, v37;
	(pc) =	sbr.rel @p0 .LBB2_15-.Ltmp6, $4  }
0x1d8: {  	v37 =	vadd.s32 v24, v25;
	v25 =	vadd.s32 $0x8, v25;
	v34 =	vld.idx.msk [tilespmem:v42+s23+$0x0], $0xffff  }
0x1d9: {  	v44 =	vmul.f32 v35, v35;
	v41 =	vsub.f32 v41, v45;
	v40 =	vld.idx.msk [tilespmem:v42+s24+$0x0], $0xffff;
	v42 =	vadd.f32 v43, v36  }
0x1da: {  	v35 =	vadd.s32 v32, v25;
	v36 =	vld.idx.msk [tilespmem:v47+s23+$0x0], $0xffff  }
0x1db: {  	s13 =	sadd.s32 $0xFFFFFFFF, s13;
	v43 =	vmul.f32 v41, v41;
	v42 =	vadd.f32 v44, v42;
	v44 =	vsub.f32 v46, v48;
	v41 =	vld.idx.msk [tilespmem:v47+s24+$0x0], $0xffff  }
0x1dc: {  	_ =	sdelay $0x3  }
0x1dd: {  	v32 =	vld.idx.msk [tilespmem:v39+s23+$0x0], $0xffff;
	v33 =	vsub.f32 v33, v38;
	v42 =	vadd.f32 v43, v42;
	v59 =	vmul.f32 v44, v44  }
0x1de: {  	v31 =	vadd.s32 v31, v25;
	v60 =	vld.idx.msk [tilespmem:v39+s24+$0x0], $0xffff  }
0x1df: {  	v61 =	vld.idx.msk [tilespmem:v37+s23+$0x0], $0xffff;
	v33 =	vmul.f32 v33, v33;
	v34 =	vsub.f32 v34, v40;
	v42 =	vadd.f32 v59, v42  }
0x1e0: {  	v30 =	vadd.s32 v30, v25;
	v62 =	vld.idx.msk [tilespmem:v37+s24+$0x0], $0xffff  }
0x1e1: {  	v63 =	vld.idx.msk [tilespmem:v35+s23+$0x0], $0xffff;
	v34 =	vmul.f32 v34, v34;
	v36 =	vsub.f32 v36, v41;
	v33 =	vadd.f32 v33, v42  }
0x1e2: {  	v29 =	vadd.s32 v29, v25;
	v44 =	vld.idx.msk [tilespmem:v35+s24+$0x0], $0xffff  }
0x1e3: {  	v45 =	vld.idx.msk [tilespmem:v31+s23+$0x0], $0xffff;
	v32 =	vsub.f32 v32, v60;
	v46 =	vmul.f32 v36, v36;
	v33 =	vadd.f32 v34, v33  }
0x1e4: {  	v27 =	vadd.s32 v27, v25;
	v31 =	vld.idx.msk [tilespmem:v31+s24+$0x0], $0xffff  }
0x1e5: {  	v47 =	vld.idx.msk [tilespmem:v30+s23+$0x0], $0xffff;
	v48 =	vsub.f32 v61, v62;
	v32 =	vmul.f32 v32, v32;
	v33 =	vadd.f32 v46, v33  }
0x1e6: {  	v26 =	vadd.s32 v26, v25;
	v30 =	vld.idx.msk [tilespmem:v30+s24+$0x0], $0xffff  }
0x1e7: {  	v49 =	vld.idx.msk [tilespmem:v29+s23+$0x0], $0xffff;
	v35 =	vsub.f32 v63, v44;
	v50 =	vmul.f32 v48, v48;
	v32 =	vadd.f32 v32, v33  }
0x1e8: {  	v28 =	vadd.s32 v28, v25;
	v29 =	vld.idx.msk [tilespmem:v29+s24+$0x0], $0xffff  }
0x1e9: {  	v51 =	vld.idx.msk [tilespmem:v27+s23+$0x0], $0xffff;
	v35 =	vmul.f32 v35, v35;
	v31 =	vsub.f32 v45, v31;
	v32 =	vadd.f32 v50, v32  }
0x1ea: {  	v24 =	vadd.s32 v24, v25;
	v25 =	vld.idx.msk [tilespmem:v27+s24+$0x0], $0xffff  }
0x1eb: {  	v27 =	vld.idx.msk [tilespmem:v26+s23+$0x0], $0xffff;
	v30 =	vsub.f32 v47, v30;
	v31 =	vmul.f32 v31, v31;
	v32 =	vadd.f32 v35, v32  }
0x1ec: {  	v26 =	vld.idx.msk [tilespmem:v26+s24+$0x0], $0xffff  }
0x1ed: {  	v52 =	vld.idx.msk [tilespmem:v28+s23+$0x0], $0xffff;
	v29 =	vsub.f32 v49, v29;
	v30 =	vmul.f32 v30, v30;
	v31 =	vadd.f32 v31, v32  }
0x1ee: {  	v28 =	vld.idx.msk [tilespmem:v28+s24+$0x0], $0xffff  }
0x1ef: {  	v53 =	vld.idx.msk [tilespmem:v24+s23+$0x0], $0xffff;
	v25 =	vsub.f32 v51, v25;
	v29 =	vmul.f32 v29, v29;
	v30 =	vadd.f32 v30, v31  }
0x1f0: {  	v24 =	vld.idx.msk [tilespmem:v24+s24+$0x0], $0xffff  }
0x1f1: {  	v26 =	vsub.f32 v27, v26;
	v25 =	vmul.f32 v25, v25;
	v29 =	vadd.f32 v29, v30;
	_ =	sdelay $0x1  }
0x1f2: {  	v27 =	vsub.f32 v52, v28;
	v26 =	vmul.f32 v26, v26;
	v25 =	vadd.f32 v25, v29;
	_ =	sdelay $0x1  }
0x1f3: {  	v24 =	vsub.f32 v53, v24;
	v25 =	vadd.f32 v26, v25;
	v26 =	vmul.f32 v27, v27;
	_ =	sdelay $0x1  }
0x1f4: {  	v24 =	vmul.f32 v24, v24;
	v25 =	vadd.f32 v26, v25;
	_ =	sdelay $0x1  }
0x1f5: {  	v24 =	vadd.f32 v24, v25;
	_ =	sdelay $0x1  }
0x1f6: {  	v24 =	vsub.f32 $0.0e+00, v24;
	_ =	sdelay $0x1  }
0x1f7: {  	v24 =	vmul.f32 $1.442695020e+00, v24;
	_ =	sdelay $0x1  }
0x1f8: {  	(erf) = vpow2.f32 v24;
	_ =	sdelay $0x4  }
0x1f9: {  	v24 =	vld [tilespmem:$0x61E0];
	_ =	sdelay $0x1  }
0x1fa: {  	v54 =	vimm.s32 $0x0;
	v32 =	vadd.s32 $0x2A00, v0  }
0x1fb: {  	v25 =	vadd.s32 v32, v54  }
0x1fc: {  	v31 =	vadd.s32 $0x2A01, v0;
	v26 =	vpop (erf)  }
0x1fd: {  	v28 =	vadd.s32 v31, v54;
	v24 =	vmul.f32 v24, v26  }
0x1fe: {  	v29 =	vadd.s32 $0x2A03, v0;
	[tilespmem:$0x6260] =	vst v26  }
0x1ff: {  	v30 =	vadd.s32 $0x2A02, v0;
	v56 =	vadd.s32 v29, v54;
	[tilespmem:$0x62E0] =	vst v24  }
0x200: {  	v24 =	vadd.s32 v30, v54;
	v55 =	vld.idx.msk [tilespmem:v25+s23+$0x0], $0xffff  }
0x201: {  	v25 =	vld.idx.msk [tilespmem:v25+s24+$0x0], $0xffff  }
0x202: {  	v27 =	vadd.s32 $0x2A04, v0;
	v57 =	vld.idx.msk [tilespmem:v28+s23+$0x0], $0xffff  }
0x203: {  	v58 =	vadd.s32 v27, v54;
	v59 =	vld.idx.msk [tilespmem:v28+s24+$0x0], $0xffff  }
0x204: {  	v26 =	vadd.s32 $0x2A05, v0;
	v33 =	vld.idx.msk [tilespmem:v56+s23+$0x0], $0xffff  }
0x205: {  	v45 =	vadd.s32 v26, v54;
	v60 =	vld.idx.msk [tilespmem:v24+s23+$0x0], $0xffff  }
0x206: {  	v28 =	vadd.s32 $0x2A06, v0;
	v61 =	vld.idx.msk [tilespmem:v24+s24+$0x0], $0xffff  }
0x207: {  	v38 =	vld.idx.msk [tilespmem:v56+s24+$0x0], $0xffff;
	v39 =	vadd.s32 v28, v54;
	v62 =	vsub.f32 v55, v25  }
0x208: {  	v34 =	vld.idx.msk [tilespmem:v58+s23+$0x0], $0xffff;
	v24 =	vadd.s32 $0x2A07, v0;
	v25 =	vadd.s32 $0x8, v54  }
0x209: {  	v40 =	vld.idx.msk [tilespmem:v58+s24+$0x0], $0xffff;
	v46 =	vsub.f32 v57, v59;
	v37 =	vadd.s32 v24, v54;
	v42 =	vmul.f32 v62, v62  }
0x20a: {  	v63 =	vimm.f32 $0.0e+00;
	v36 =	vld.idx.msk [tilespmem:v45+s23+$0x0], $0xffff;
	v35 =	vadd.s32 v32, v25  }
0x20b: {  	s13 =	simm.s32 $0xA;
	v41 =	vld.idx.msk [tilespmem:v45+s24+$0x0], $0xffff;
	v43 =	vmul.f32 v46, v46;
	v42 =	vadd.f32 v42, v63;
	v44 =	vsub.f32 v60, v61  }
.LBB2_17:
0x20c: {  	p0 =	sne.s32 s13, $0x1;
	v45 =	vadd.s32 v31, v25;
	v46 =	vld.idx.msk [tilespmem:v39+s23+$0x0], $0xffff  }
0x20d: {  	v33 =	vsub.f32 v33, v38;
	v42 =	vadd.f32 v43, v42;
	v43 =	vmul.f32 v44, v44;
	v38 =	vld.idx.msk [tilespmem:v39+s24+$0x0], $0xffff  }
0x20e: {  	v39 =	vadd.s32 v30, v25;
	v44 =	vld.idx.msk [tilespmem:v37+s23+$0x0], $0xffff  }
0x20f: {  	v33 =	vmul.f32 v33, v33;
	v34 =	vsub.f32 v34, v40;
	v42 =	vadd.f32 v43, v42;
	v37 =	vld.idx.msk [tilespmem:v37+s24+$0x0], $0xffff  }
0x210: {  	v43 =	vadd.s32 v29, v25;
	v40 =	vld.idx.msk [tilespmem:v35+s23+$0x0], $0xffff  }
0x211: {  	v34 =	vmul.f32 v34, v34;
	v36 =	vsub.f32 v36, v41;
	v35 =	vld.idx.msk [tilespmem:v35+s24+$0x0], $0xffff;
	v33 =	vadd.f32 v33, v42  }
0x212: {  	v42 =	vadd.s32 v27, v25;
	v41 =	vld.idx.msk [tilespmem:v45+s23+$0x0], $0xffff  }
0x213: {  	v45 =	vld.idx.msk [tilespmem:v45+s24+$0x0], $0xffff;
	v33 =	vadd.f32 v34, v33;
	v34 =	vmul.f32 v36, v36;
	v36 =	vsub.f32 v46, v38  }
0x214: {  	v47 =	vadd.s32 v26, v25;
	v46 =	vld.idx.msk [tilespmem:v39+s23+$0x0], $0xffff  }
0x215: {  	v37 =	vsub.f32 v44, v37;
	v48 =	vld.idx.msk [tilespmem:v39+s24+$0x0], $0xffff;
	v34 =	vadd.f32 v34, v33;
	v36 =	vmul.f32 v36, v36  }
0x216: {  	v39 =	vadd.s32 v28, v25;
	v33 =	vld.idx.msk [tilespmem:v43+s23+$0x0], $0xffff  }
.Ltmp7:
0x217: {  	v35 =	vsub.f32 v40, v35;
	v38 =	vld.idx.msk [tilespmem:v43+s24+$0x0], $0xffff;
	v36 =	vadd.f32 v36, v34;
	v43 =	vmul.f32 v37, v37;
	(pc) =	sbr.rel @p0 .LBB2_17-.Ltmp7, $4  }
0x218: {  	v37 =	vadd.s32 v24, v25;
	v25 =	vadd.s32 $0x8, v25;
	v34 =	vld.idx.msk [tilespmem:v42+s23+$0x0], $0xffff  }
0x219: {  	v44 =	vmul.f32 v35, v35;
	v41 =	vsub.f32 v41, v45;
	v40 =	vld.idx.msk [tilespmem:v42+s24+$0x0], $0xffff;
	v42 =	vadd.f32 v43, v36  }
0x21a: {  	v35 =	vadd.s32 v32, v25;
	v36 =	vld.idx.msk [tilespmem:v47+s23+$0x0], $0xffff  }
0x21b: {  	s13 =	sadd.s32 $0xFFFFFFFF, s13;
	v43 =	vmul.f32 v41, v41;
	v42 =	vadd.f32 v44, v42;
	v44 =	vsub.f32 v46, v48;
	v41 =	vld.idx.msk [tilespmem:v47+s24+$0x0], $0xffff  }
0x21c: {  	_ =	sdelay $0x3  }
0x21d: {  	v32 =	vld.idx.msk [tilespmem:v39+s23+$0x0], $0xffff;
	v33 =	vsub.f32 v33, v38;
	v42 =	vadd.f32 v43, v42;
	v62 =	vmul.f32 v44, v44  }
0x21e: {  	v31 =	vadd.s32 v31, v25;
	v63 =	vld.idx.msk [tilespmem:v39+s24+$0x0], $0xffff  }
0x21f: {  	v45 =	vld.idx.msk [tilespmem:v37+s23+$0x0], $0xffff;
	v33 =	vmul.f32 v33, v33;
	v34 =	vsub.f32 v34, v40;
	v42 =	vadd.f32 v62, v42  }
0x220: {  	v30 =	vadd.s32 v30, v25;
	v46 =	vld.idx.msk [tilespmem:v37+s24+$0x0], $0xffff  }
0x221: {  	v47 =	vld.idx.msk [tilespmem:v35+s23+$0x0], $0xffff;
	v34 =	vmul.f32 v34, v34;
	v36 =	vsub.f32 v36, v41;
	v33 =	vadd.f32 v33, v42  }
0x222: {  	v29 =	vadd.s32 v29, v25;
	v48 =	vld.idx.msk [tilespmem:v35+s24+$0x0], $0xffff  }
0x223: {  	v49 =	vld.idx.msk [tilespmem:v31+s23+$0x0], $0xffff;
	v32 =	vsub.f32 v32, v63;
	v50 =	vmul.f32 v36, v36;
	v33 =	vadd.f32 v34, v33  }
0x224: {  	v27 =	vadd.s32 v27, v25;
	v31 =	vld.idx.msk [tilespmem:v31+s24+$0x0], $0xffff  }
0x225: {  	v51 =	vld.idx.msk [tilespmem:v30+s23+$0x0], $0xffff;
	v52 =	vsub.f32 v45, v46;
	v32 =	vmul.f32 v32, v32;
	v33 =	vadd.f32 v50, v33  }
0x226: {  	v26 =	vadd.s32 v26, v25;
	v30 =	vld.idx.msk [tilespmem:v30+s24+$0x0], $0xffff  }
0x227: {  	v53 =	vld.idx.msk [tilespmem:v29+s23+$0x0], $0xffff;
	v35 =	vsub.f32 v47, v48;
	v54 =	vmul.f32 v52, v52;
	v32 =	vadd.f32 v32, v33  }
0x228: {  	v28 =	vadd.s32 v28, v25;
	v29 =	vld.idx.msk [tilespmem:v29+s24+$0x0], $0xffff  }
0x229: {  	v55 =	vld.idx.msk [tilespmem:v27+s23+$0x0], $0xffff;
	v35 =	vmul.f32 v35, v35;
	v31 =	vsub.f32 v49, v31;
	v32 =	vadd.f32 v54, v32  }
0x22a: {  	v24 =	vadd.s32 v24, v25;
	v56 =	vld.idx.msk [tilespmem:v27+s24+$0x0], $0xffff  }
0x22b: {  	v57 =	vld.idx.msk [tilespmem:v26+s23+$0x0], $0xffff;
	v30 =	vsub.f32 v51, v30;
	v31 =	vmul.f32 v31, v31;
	v32 =	vadd.f32 v35, v32  }
0x22c: {  	v26 =	vld.idx.msk [tilespmem:v26+s24+$0x0], $0xffff  }
0x22d: {  	v58 =	vld.idx.msk [tilespmem:v28+s23+$0x0], $0xffff;
	v29 =	vsub.f32 v53, v29;
	v30 =	vmul.f32 v30, v30;
	v31 =	vadd.f32 v31, v32  }
0x22e: {  	v28 =	vld.idx.msk [tilespmem:v28+s24+$0x0], $0xffff  }
0x22f: {  	v59 =	vld.idx.msk [tilespmem:v24+s23+$0x0], $0xffff;
	v25 =	vsub.f32 v55, v56;
	v29 =	vmul.f32 v29, v29;
	v30 =	vadd.f32 v30, v31  }
0x230: {  	v24 =	vld.idx.msk [tilespmem:v24+s24+$0x0], $0xffff  }
0x231: {  	v26 =	vsub.f32 v57, v26;
	v25 =	vmul.f32 v25, v25;
	v29 =	vadd.f32 v29, v30;
	_ =	sdelay $0x1  }
0x232: {  	v60 =	vsub.f32 v58, v28;
	v26 =	vmul.f32 v26, v26;
	v25 =	vadd.f32 v25, v29;
	_ =	sdelay $0x1  }
0x233: {  	v24 =	vsub.f32 v59, v24;
	v61 =	vmul.f32 v60, v60;
	v25 =	vadd.f32 v26, v25;
	_ =	sdelay $0x1  }
0x234: {  	v24 =	vmul.f32 v24, v24;
	v25 =	vadd.f32 v61, v25;
	_ =	sdelay $0x1  }
0x235: {  	v24 =	vadd.f32 v24, v25;
	_ =	sdelay $0x1  }
0x236: {  	v24 =	vsub.f32 $0.0e+00, v24;
	_ =	sdelay $0x1  }
0x237: {  	v24 =	vmul.f32 $1.442695020e+00, v24;
	_ =	sdelay $0x1  }
0x238: {  	(erf) = vpow2.f32 v24;
	_ =	sdelay $0x4  }
0x239: {  	v62 =	vld [tilespmem:$0x61F0];
	_ =	sdelay $0x3  }
0x23a: {  	v63 =	vpop (erf)  }
0x23b: {  	v24 =	vmul.f32 v62, v63  }
0x23c: {  	[tilespmem:$0x6270] =	vst v63  }
0x23d: {  	[tilespmem:$0x62F0] =	vst v24  }
0x23e: {  	[spmem:s3] =	stream.indirect.scatter.add.f32 [tilespmem:s30], [sflag:$0x1], $0x1, s22, s21, $0xb8;
	[tilespmem:$0x13B10] =	vst v63  }
0x23f: {  	s1 =	sadd.s32 $0x1, s1;
	_ =	swait.ge [sflag:s26], $0x80  }
0x240: {  	p0 =	sne.s32 s1, $0x48;
	[sflag:s26] =	ssyncset.done $0x0  }
.Ltmp8:
0x241: {  	[sflag:s26] =	ssyncadd.s32 $0xFFFFFF80;
	(pc) =	sbr.rel @p0 .LBB2_2-.Ltmp8, $4  }
0x242: {  	[spmem:s4] =	stream.indirect.scatter.add.f32 [tilespmem:s31], [sflag:$0x2], $0x1, s22, s21, $0xb8;
	[tilespmem:$0x13B10] =	vst v63  }
0x243: {  	_ =	swait.ge [sflag:s28], $0x80  }
0x244: {  	[sflag:s28] =	ssyncset.done $0x0  }
0x245: {  	[sflag:s28] =	ssyncadd.s32 $0xFFFFFF80  }
0x246: {  	[bflag:$0x0] =	sbarrier.arrive $0xFFFF  }
0x247: {  	s13 =	simm.s32 $0x6300;
	s1 =	rddreg [dreg:$0x5]  }
0x248: {  	[tilespmem:s13], [sflag:$0x4] =	stream.linear.gather [spmem:s1], $0x2400, $0x38;
	[tilespmem:$0x13B10] =	vst v63  }
0x249: {  	_ =	swait.ge [sflag:s19], $0x2400  }
0x24a: {  	[sflag:s19] =	ssyncset.done $0x0  }
0x24b: {  	s14 =	simm.s32 $0x8700;
	s13 =	rddreg [dreg:$0x6];
	[sflag:s19] =	ssyncadd.s32 $0xFFFFDC00  }
0x24c: {  	[tilespmem:s14], [sflag:$0x4] =	stream.linear.gather [spmem:s13], $0x2400, $0x38;
	[tilespmem:$0x13B10] =	vst v63  }
0x24d: {  	_ =	swait.ge [sflag:s19], $0x2400  }
0x24e: {  	s15 =	simm.s32 $0x0;
	[sflag:s19] =	ssyncset.done $0x0  }
0x24f: {  	s14 =	simm.s32 $0xAB00;
	s16 =	rddreg [dreg:$0x7];
	[sflag:s19] =	ssyncadd.s32 $0xFFFFDC00  }
0x250: {  	[tilespmem:s14], [sflag:$0x4] =	stream.linear.gather [hbm4b:s16+s15], $0x2400, $0x38;
	[tilespmem:$0x13B10] =	vst v63  }
0x251: {  	_ =	swait.ge [sflag:s19], $0x2400  }
0x252: {  	[sflag:s19] =	ssyncset.done $0x0  }
0x253: {  	s14 =	simm.s32 $0x0;
	[sflag:s19] =	ssyncadd.s32 $0xFFFFDC00  }
0x254: {  	v24 =	vld [tilespmem:s14+$0x8700];
	_ =	sdelay $0x4  }
0x255: {  	v24 =	vadd.f32 $1.000000000e+00, v24  }
0x256: {  	s1 =	simm.s32 $0x10  }
0x257: {  	(erf) = vrcp.f32 v24;
	v24 =	vld [tilespmem:s1+$0x8700];
	_ =	sdelay $0x2  }
0x258: {  	v25 =	vld [tilespmem:s14+$0xAB00]  }
0x259: {  	v27 =	vld [tilespmem:s14+$0x6300]  }
0x25a: {  	s13 =	simm.s32 $0x20;
	v28 =	vadd.f32 $1.000000000e+00, v24  }
0x25b: {  	v26 =	vld [tilespmem:s13+$0x8700]  }
0x25c: {  	(erf) = vrcp.f32 v28;
	_ =	sdelay $0x1  }
0x25d: {  	v27 =	vadd.f32 v27, v25;
	v25 =	vld [tilespmem:s1+$0x6300]  }
0x25e: {  	s15 =	simm.s32 $0xC0;
	v24 =	vld [tilespmem:s1+$0xAB00];
	v28 =	vpop (erf)  }
.LBB2_20:
0x25f: {  	s16 =	sshra.s32 s15, $0x2;
	p0 =	sne.s32 s15, $0x8FC0;
	s15 =	sadd.s32 $0x40, s15;
	v29 =	vadd.f32 $1.000000000e+00, v26;
	v27 =	vmul.f32 v28, v27  }
.Ltmp9:
0x260: {  	v26 =	vld [tilespmem:s16+$0x8700];
	(pc) =	sbr.rel @p0 .LBB2_20-.Ltmp9, $4  }
0x261: {  	(erf) = vrcp.f32 v29;
	[tilespmem:s14+$0xCF00] =	vst v27;
	s14 =	smov.u32 s1;
	s1 =	smov.u32 s13;
	s13 =	smov.u32 s16  }
0x262: {  	_ = 	snop  }
0x263: {  	v27 =	vadd.f32 v25, v24;
	v24 =	vld [tilespmem:s1+$0xAB00]  }
0x264: {  	v25 =	vld [tilespmem:s1+$0x6300];
	v28 =	vpop (erf)  }
0x265: {  	v26 =	vadd.f32 $1.000000000e+00, v26  }
0x266: {  	v27 =	vmul.f32 v28, v27  }
0x267: {  	(erf) = vrcp.f32 v26  }
0x268: {  	[tilespmem:s14+$0xCF00] =	vst v27  }
0x269: {  	v61 =	vld [tilespmem:s13+$0xAB00]  }
0x26a: {  	v27 =	vld [tilespmem:s13+$0x6300];
	_ =	sdelay $0x3  }
0x26b: {  	v24 =	vadd.f32 v25, v24  }
0x26c: {  	v62 =	vpop (erf);
	v26 =	vadd.f32 v27, v61  }
0x26d: {  	v24 =	vmul.f32 v62, v24;
	v63 =	vpop (erf)  }
0x26e: {  	s0 =	sadd.s32 $0x1, s0;
	v25 =	vmul.f32 v63, v26  }
0x26f: {  	p0 =	sne.s32 s0, s17;
	[tilespmem:s1+$0xCF00] =	vst v24  }
.Ltmp10:
0x270: {  	s15 =	rddreg [dreg:$0x8];
	s16 =	simm.s32 $0xCF00;
	[tilespmem:s13+$0xCF00] =	vst v25;
	(pc) =	sbr.rel @p0 .LBB2_1-.Ltmp10, $4  }
0x271: {  	[hbm4b:s15+s5] =	stream.linear.scatter [tilespmem:s16], [sflag:$0x4], $0x2400, $0x38;
	[tilespmem:$0x13B10] =	vst v63  }
0x272: {  	_ =	swait.ge [sflag:s19], $0x2400  }
0x273: {  	[sflag:s19] =	ssyncset.done $0x0  }
0x274: {  	[sflag:s19] =	ssyncadd.s32 $0xFFFFDC00  }
0x275: {  	_ =	sfence.sel $0x180000  }
0x276: {  	[bflag:$0x0] =	sbarrier.arrive $0xFFFF  }
0x277: {  	_ =	strace $0x9000004A  }
0x278: {  	s0 =	stileid.u32;
	[bflag:$0x2] =	sbarrier.arrive $0xFFFF  }
0x279: {  	p0 =	sne.s32 s0, $0x0;
	s0 =	rddreg [dreg:$0x4]  }
0x27a: {  	s0 =	sadd.s32 @!p0 $0x100000, s0  }
0x27b: {  	[sflag:s0] =	ssyncadd.tile.s32 @!p0 $0x1;
	_ =	shalt  }
.Lfunc_end2:
_tile_overlayer_lowered:
.L_overlay_start_2:
0x27c: {  	(tag) =	ssettag $0x2  }
0x27d: {  	s0 =	rddreg [dreg:$0x0];
	s2 =	stileid.u32  }
0x27e: {  	s1 =	rddreg [dreg:$0x1];
	p0 =	sne.s32 s2, $0x0  }
0x27f: {  	s3 =	rddreg [dreg:$0x2];
	[bflag:$0x3] =	sbarrier.arrive $0xFFFF;
	s2 =	simm.s32 @!p0 $0x1C04  }
0x280: {  	[timem:s3], [sflag:s2] =	dma.local @!p0 [hbm:s0], s1  }
0x281: {  	s0 =	simm.s32 @!p0 $0x4  }
0x282: {  	_ =	swait.ge @!p0 [sflag:s0], s1  }
0x283: {  	s1 =	ssub.s32 @!p0 $0x0, s1;
	[sflag:s0] =	ssyncset.done @!p0 $0x0  }
0x284: {  	[sflag:s0] =	ssyncadd.s32 @!p0 s1  }
0x285: {  	[bflag:$0x3] =	sbarrier.arrive $0xFFFF  }
0x286: {  	_ =	shalt  }

// kernel: sparse-core-data-format-call.cloned.1.call-start
scs
called_computation_lowered:
.L_overlay_start_0:
0x0: {  	s1 =	sld [smem:$0x3FD9]  }
0x1: {  	s2 =	sld [smem:$0x3FFE];
	_ =	sdelay $0x1  }
0x2: {  	s3 =	srdreg.scid  }
0x3: {  	s0 =	sand.u32 $0x1, s3  }
0x4: {  	s17 =	sshll.u32 s0, $0xA;
	s1 =	sadd.s32 s2, s1  }
0x5: {  	s1 =	sadd.s32 s1, s17  }
0x6: {  	[smem:$0x3FC4] =	sst s1  }
0x7: {  	_ = 	snop  }
0x8: {  	(tm) =	ssettm $0x1  }
0x9: {  	s18 =	sld [smem:$0x3FFB];
	_ =	sdelay $0x3  }
0xa: {  	_ =	strace s18  }
0xb: {  	s1 =	sld [smem:$0x3FFC];
	_ =	sdelay $0x3  }
0xc: {  	_ =	strace s1  }
0xd: {  	s1 =	sld [smem:$0x3FFD];
	_ =	sdelay $0x3  }
0xe: {  	_ =	strace s1  }
0xf: {  	_ =	strace $0x8FFFFFFF  }
0x10: {  	s19 =	sld [smem:$0x3FDB];
	_ =	sdelay $0x1  }
0x11: {  	s20 =	simm.s32 $_scs_section_size  }
0x12: {  	s4 =	simm.s32 $_size__tile_overlayer_lowered;
	s5 =	simm.s32 $_tile_overlayer_lowered  }
0x13: {  	s23 =	simm.s32 $0x1BFF;
	s22 =	sshll.u32 s5, $0x1;
	s1 =	sadd.s32 s20, s19  }
0x14: {  	s6 =	simm.s32 $0x0;
	s21 =	sshll.u32 s4, $0x1;
	s4 =	sadd.s32 s22, s1  }
0x15: {  	[timem:s6], [sflag:s23] =	dma.local [hbm:s4], s21  }
0x16: {  	_ =	swait.ge [sflag:s23], s21  }
0x17: {  	s2 =	ssub.s32 $0x0, s21;
	[sflag:s23] =	ssyncset.done $0x0  }
0x18: {  	[sflag:s23] =	ssyncadd.s32 s2;
	_ =	sdelay $0x1  }
0x19: {  	s24 =	simm.s32 $0x1B8B  }
0x1a: {  	_ =	swait.ge [sflag:s24], $0x1  }
0x1b: {  	[sflag:s24] =	ssyncset.done $0x0  }
0x1c: {  	s26 =	simm.s32 $0x1B8E;
	s25 =	sld [smem:$0x3FFE];
	[sflag:s24] =	ssyncadd.s32 $0xFFFFFFFF  }
0x1d: {  	s27 =	simm.s32 $execute0_lowered;
	[smem:$0x3FD2] =	sst s26  }
0x1e: {  	s4 =	sshll.u32 s27, $0x1;
	_ =	strace $0x80000046;
	[dreg:$0x1] =	wrdreg $0xFFFFFFFF  }
0x1f: {  	s28 =	simm.s32 $_size_execute0_lowered;
	s1 =	sadd.s32 s1, s4;
	[dreg:$0x0] =	wrdreg $0x0  }
0x20: {  	s4 =	sshll.u32 s28, $0x1;
	[dreg:$0x2] =	wrdreg s1  }
0x21: {  	[dreg:$0x3] =	wrdreg s4  }
0x22: {  	[dreg:$0x4] =	wrdreg $0xC0  }
0x23: {  	_ =	task [dreg:s6], $0x5FFFF  }
0x24: {  	[dreg:$0x1] =	wrdreg $0xFFFFFFFF  }
0x25: {  	[dreg:$0x0] =	wrdreg $0x60  }
0x26: {  	[dreg:$0x2] =	wrdreg s25  }
0x27: {  	[dreg:$0x3] =	wrdreg $0x9  }
0x28: {  	_ =	task.clear_ibuf [dreg:s6], $0x4FFFF;
	_ =	strace $0x90000046  }
0x29: {  	s29 =	simm.s32 $0x9;
	_ =	strace $0x80000048  }
0x2a: {  	_ =	swait.ge [sflag:s29], $0x1  }
0x2b: {  	[sflag:s29] =	ssyncadd.s32 $0xFFFFFFFF  }
0x2c: {  	_ =	strace $0x90000048  }
0x2d: {  	_ =	sfence  }
0x2e: {  	s30 =	sld [smem:$0x0];
	_ =	sdelay $0x2  }
0x2f: {  	s31 =	sshll.u32 s3, $0xD;
	s3 =	sshrl.u32 s3, $0x2  }
0x30: {  	s2 =	sand.u32 $0x4000, s31;
	s1 =	sadd.s32 s3, s30  }
0x31: {  	s0 =	sor.u32 s2, s0;
	s1 =	sshll.u32 s1, $0x11  }
0x32: {  	s0 =	sor.u32 s1, s0  }
0x33: {  	s0 =	sadd.s32 $0x8F2B, s0  }
0x34: {  	[sflag:s0] =	ssyncadd.remote.s32 $0x1  }
0x35: {  	_ =	sfence.sel $0xFFFF  }
0x36: {  	[dreg:$0x0] =	wrdreg $0xFFFFFFFF;
	(pc) =	sbr.abs _section_cstart, $3  }
0x37: {  	[dreg:$0x1] =	wrdreg $0xFFFFFFFF  }
0x38: {  	_ =	task.clear_ibuf [dreg:s6], $0x2FFFF;
	_ =	strace $0x9FFFFFFF  }
0x39: {  	(tm) =	ssettm $0x7FFFFFFF  }
tec
execute0_lowered:
.L_overlay_start_1:
0x0: {  	(tag) =	ssettag $0x1  }
0x1: {  	s4 =	rddreg [dreg:$0x0]  }
0x2: {  	s1 =	stileid.u32;
	s0 =	rddreg [dreg:$0x1];
	_ =	strace $0x80000047  }
0x3: {  	s6 =	srdreg.scid;
	s31 =	simm.s32 $0x2;
	s18 =	simm.s32 $0x0  }
0x4: {  	p0 =	por $0x0, $0x0;
	s9 =	simm.s32 $0x24000;
	s16 =	simm.s32 $0x0  }
0x5: {  	s15 =	simm.s32 $0x0;
	s17 =	simm.s32 $0x0;
	s10 =	simm.s32 $0x0  }
0x6: {  	s12 =	simm.s32 $0x0;
	s14 =	simm.s32 $0x0;
	s2 =	sand.u32 $0x1, s1  }
0x7: {  	s3 =	sadd.s32 $0x1000, s4;
	s6 =	sshll.u32 s6, $0x4;
	s5 =	ssub.s32 $0x2, s2  }
.Ltmp0:
0x8: {  	s7 =	sshrl.u32 s5, $0x1;
	s5 =	sand.u32 $0x1, s5;
	(pc) =	sbr.rel .LBB1_1-.Ltmp0, $4  }
0x9: {  	s4 =	sadd.s32 $0x361000, s4;
	s8 =	sand.u32 $0x10, s6;
	s7 =	sadd.s32 s5, s7  }
0xa: {  	s30 =	sor.u32 s1, s8;
	s5 =	simm.s32 $0x1;
	s6 =	smul.u32 $0x48, s7  }
0xb: {  	s13 =	smov.u32 s2;
	[sflag:s5] =	ssyncpa.u1 $0x0;
	s7 =	sshrl.u32 s30, $0x1  }
0xc: {  	[sflag:s31] =	ssyncpa.u1 $0x0;
	s11 =	smov.u32 s7;
	s8 =	sor.u32 $0x1, s6  }
.LBB1_6:
0xd: {  	s18 =	sshll.u32 s18, $0x7;
	s24 =	sshll.u32 s15, $0x3;
	v5 =	vld [tilespmem:s22+$0xFFFFFFD0];
	[tilespmem:s21+$0x2040 ss:$0x81] =	vst.msk $0xffff, v4  }
0xe: {  	v58 =	vld [tilespmem:s22+$0xFFFFFFE0];
	[tilespmem:s21+$0x2850 ss:$0x81] =	vst.msk $0xffff, v2;
	s25 =	sand.u32 $0xFFFFFC00, s18;
	s24 =	sand.u32 $0xFFFFFC00, s24  }
0xf: {  	s23 =	sshra.s32 s23, $0x2;
	v59 =	vld [tilespmem:s22+$0xFFFFFFF0];
	[tilespmem:s21+$0x3060 ss:$0x81] =	vst.msk $0xffff, v3;
	s18 =	sand.u32 $0x380, s18;
	s24 =	sadd.s32 s24, s25  }
0x10: {  	v60 =	vld [tilespmem:s22+$0x0];
	[tilespmem:s21+$0x0 ss:$0x81] =	vst.msk $0xffff, v0;
	s20 =	sadd.s32 s23, s20;
	s18 =	sor.u32 s18, s24  }
0x11: {  	v61 =	vld [tilespmem:s22+$0x10];
	s17 =	smul.u32 $0x240000, s17;
	[tilespmem:s20+$0x3870 ss:$0x81] =	vst.msk $0xffff, v1;
	s18 =	sshrl.u32 s18, $0x7  }
0x12: {  	v62 =	vld [tilespmem:s22+$0x20];
	s27 =	smulhi.u32 $0xAAAAAB, s18;
	[tilespmem:s20+$0x810 ss:$0x81] =	vst.msk $0xffff, v5  }
0x13: {  	v63 =	vld [tilespmem:s22+$0xFFFFFFC0];
	s16 =	smul.u32 $0x1800, s16;
	[tilespmem:s20+$0x1020 ss:$0x81] =	vst.msk $0xffff, v58  }
0x14: {  	[tilespmem:s20+$0x1830 ss:$0x81] =	vst.msk $0xffff, v59;
	s21 =	smul.u32 $0x180, s27  }
0x15: {  	s28 =	sshrl.u32 s15, $0x3;
	s17 =	sadd.s32 s4, s17;
	[tilespmem:s20+$0x2040 ss:$0x81] =	vst.msk $0xffff, v60  }
0x16: {  	s29 =	sand.u32 $0xF, s28;
	s16 =	sadd.s32 s16, s17;
	[tilespmem:s20+$0x2850 ss:$0x81] =	vst.msk $0xffff, v61;
	s18 =	ssub.s32 s18, s21  }
0x17: {  	s16 =	sadd.s32 s29, s16;
	[tilespmem:s20+$0x3060 ss:$0x81] =	vst.msk $0xffff, v62;
	s30 =	sshll.u32 s18, $0x4  }
0x18: {  	s31 =	sand.u32 $0x7, s15;
	[tilespmem:s20+$0x0 ss:$0x81] =	vst.msk $0xffff, v63;
	s16 =	sadd.s32 s30, s16  }
0x19: {  	[hbm4b:s16+s31] =	stream.linear.scatter [tilespmem:s19], [sflag:$0x2], $0x4000, $0x20;
	[tilespmem:$0x10100] =	vst v63  }
.LBB1_7:
0x1a: {  	s19 =	sadd.s32 $0x80, s10  }
0x1b: {  	s15 =	sadd.s32 $0x10, s11;
	s20 =	smov.u32 s11;
	p2 =	sgt.s32 s19, $0x17F  }
0x1c: {  	s20 =	smov.u32 @p2 s15  }
0x1d: {  	s21 =	smov.u32 s12;
	s15 =	sadd.s32 $0x80, s12;
	p3 =	sgt.s32 s20, $0x17F  }
0x1e: {  	s21 =	smov.u32 @p3 s15  }
0x1f: {  	s22 =	smov.u32 s13;
	s15 =	sadd.s32 $0x2, s13;
	p4 =	sgt.s32 s21, $0x5F  }
0x20: {  	p1 =	slt.u32 s14, $0x2;
	s22 =	smov.u32 @p4 s15  }
0x21: {  	s18 =	smov.u32 s10;
	s19 =	simm.s32 @p2 $0x0;
	p2 =	sgt.s32 s22, $0x1  }
0x22: {  	s23 =	simm.s32 @!p1 $0x2;
	s22 =	smov.u32 @p2 s2;
	p2 =	sne.s32 s14, s8  }
.Ltmp1:
0x23: {  	s16 =	smov.u32 s11;
	_ =	swait.ge @!p1 [sflag:s23], $0x4000;
	(pc) =	sbr.rel @!p2 .LBB1_8-.Ltmp1, $4  }
0x24: {  	s17 =	smov.u32 s13;
	p0 =	por !p0, !p0;
	[sflag:s23] =	ssyncset.done @!p1 $0x0  }
0x25: {  	s10 =	smov.u32 s19;
	s20 =	smov.u32 @p3 s7;
	[sflag:s23] =	ssyncadd.s32 @!p1 $0xFFFFC000  }
0x26: {  	s11 =	smov.u32 s20;
	s21 =	simm.s32 @p4 $0x0;
	s15 =	smov.u32 s12  }
0x27: {  	s12 =	smov.u32 s21;
	s14 =	sadd.s32 $0x1, s14;
	s13 =	smov.u32 s22  }
.LBB1_1:
0x28: {  	p1 =	sge.u32 s14, s6  }
.Ltmp2:
0x29: {  	_ = 	snop;
	(pc) =	sbr.rel @p1 .LBB1_3-.Ltmp2, $1  }
0x2a: {  	_ =	sdelay $0x3  }
0x2b: {  	s19 =	sshrl.u32 s11, $0x3  }
0x2c: {  	s20 =	sshll.u32 s10, $0x3;
	s19 =	smul.u32 $0xC00, s19  }
0x2d: {  	s21 =	sshll.u32 s11, $0x7;
	s20 =	sand.u32 $0xFFFFFC00, s20  }
0x2e: {  	s25 =	sand.u32 $0x380, s21;
	s19 =	sadd.s32 s19, s20  }
0x2f: {  	s26 =	sand.u32 $0x7F, s10;
	s19 =	sor.u32 s25, s19  }
0x30: {  	s22 =	sshra.s32 s13, $0x1F;
	s20 =	sor.u32 s26, s19  }
0x31: {  	p1 =	sgt.s32 s13, $0x1;
	s23 =	smov.u32 s13;
	s21 =	smulhi.u32 $0xAAAAAAAB, s20  }
0x32: {  	s24 =	sxor.u32 $0xFFFFFFFF, s14;
	s28 =	sshra.s32 s12, $0x1F;
	s31 =	sshra.s32 s10, $0x1F  }
0x33: {  	s22 =	sand.u32 s22, s13;
	s23 =	simm.s32 @!p1 $0x1;
	s21 =	sshrl.u32 s21, $0x8  }
0x34: {  	s24 =	sshll.u32 s24, $0xE;
	s22 =	sxor.u32 $0xFFFFFFFF, s22;
	s21 =	smul.u32 $0x180, s21  }
0x35: {  	s27 =	sadd.s32 s22, s23;
	s22 =	smov.u32 s12;
	s23 =	sand.u32 s28, s12  }
0x36: {  	p1 =	sgt.s32 s27, $0x0;
	s20 =	ssub.s32 s20, s21;
	s21 =	ssub.s32 $0x1, s27  }
0x37: {  	s25 =	sshra.s32 s11, $0x1F;
	s21 =	simm.s32 @p1 $0x0;
	p1 =	sgt.s32 s12, $0xFFFFFFE0  }
0x38: {  	s19 =	smulhi.u32 $0xAAAAAAAB, s19;
	s25 =	sand.u32 s25, s11;
	s22 =	simm.s32 @!p1 $0xFFFFFFE0  }
0x39: {  	p1 =	sgt.s32 s11, $0x17F;
	s22 =	ssub.s32 s22, s23;
	s23 =	smov.u32 s11  }
0x3a: {  	s19 =	sshrl.u32 s19, $0x8;
	s26 =	sadd.s32 $0x20, s22;
	s23 =	simm.s32 @!p1 $0x17F  }
0x3b: {  	s22 =	ssub.s32 $0x60, s22;
	p1 =	sgt.s32 s26, $0x7F;
	s23 =	ssub.s32 s23, s25  }
0x3c: {  	s29 =	smulhi.u32 $0xAAAAAB, s19;
	s22 =	simm.s32 @p1 $0x0;
	s30 =	sadd.s32 $0xFFFFFE81, s23  }
0x3d: {  	s21 =	smul.u32 s21, s22;
	p1 =	sgt.s32 s30, $0x0;
	s22 =	ssub.s32 $0x180, s23  }
0x3e: {  	s23 =	smov.u32 s10;
	s22 =	simm.s32 @p1 $0x0;
	p1 =	sgt.s32 s10, $0x100  }
0x3f: {  	s25 =	smul.u32 $0x180, s29;
	s26 =	sand.u32 s31, s10;
	s23 =	simm.s32 @!p1 $0x100  }
0x40: {  	s27 =	smul.u32 $0x4800, s12;
	s29 =	sand.u32 $0x7, s20;
	s23 =	ssub.s32 s23, s26  }
0x41: {  	s19 =	ssub.s32 s19, s25;
	s26 =	smul.u32 $0x1B0000, s13;
	s25 =	sadd.s32 $0xFFFFFF00, s23  }
0x42: {  	s21 =	smul.u32 s22, s21;
	s23 =	ssub.s32 $0x180, s23;
	p1 =	sgt.s32 s25, $0x7F  }
0x43: {  	s19 =	smul.u32 $0x30, s19;
	s25 =	sadd.s32 s3, s26;
	s23 =	simm.s32 @p1 $0x0  }
0x44: {  	s30 =	sshll.u32 s29, $0x12;
	s28 =	sadd.s32 s27, s25;
	s21 =	smul.u32 s23, s21  }
0x45: {  	s20 =	sshrl.u32 s20, $0x3;
	s31 =	sor.u32 $0x80, s30;
	s19 =	sadd.s32 s19, s28  }
0x46: {  	s22 =	sand.u32 $0x4000, s24;
	s19 =	sadd.s32 s20, s19;
	s21 =	sand.u32 $0x3FFFFFFF, s21  }
0x47: {  	[tilespmem:s22], [sflag:$0x1] =	stream.strided.gather [hbm4b:s19+s31], s21, s9, s31, $0x38;
	[tilespmem:$0x10100] =	vst v63  }
.LBB1_3:
0x48: {  	s19 =	sadd.s32 $0xFFFFFFFF, s14  }
0x49: {  	p1 =	sge.u32 s19, s6  }
.Ltmp3:
0x4a: {  	_ = 	snop;
	(pc) =	sbr.rel @p1 .LBB1_7-.Ltmp3, $1  }
0x4b: {  	_ =	sdelay $0x3  }
0x4c: {  	p1 =	sgt.s32 s17, $0x1;
	s19 =	smov.u32 s17;
	s20 =	sshra.s32 s17, $0x1F  }
0x4d: {  	s21 =	smov.u32 s15;
	s22 =	sshra.s32 s15, $0x1F;
	s25 =	sshra.s32 s16, $0x1F  }
0x4e: {  	s19 =	simm.s32 @!p1 $0x1;
	s20 =	sand.u32 s20, s17;
	p1 =	sgt.s32 s15, $0xFFFFFFE0  }
0x4f: {  	s22 =	sand.u32 s22, s15;
	s20 =	sxor.u32 $0xFFFFFFFF, s20;
	s21 =	simm.s32 @!p1 $0xFFFFFFE0  }
0x50: {  	s27 =	sshra.s32 s18, $0x1F;
	s19 =	sadd.s32 s20, s19;
	s24 =	ssub.s32 s21, s22  }
0x51: {  	p1 =	sgt.s32 s19, $0x0;
	s19 =	ssub.s32 $0x1, s19;
	s21 =	sadd.s32 $0x20, s24  }
0x52: {  	s20 =	ssub.s32 $0x60, s24;
	s19 =	simm.s32 @p1 $0x0;
	p1 =	sgt.s32 s21, $0x7F  }
0x53: {  	s21 =	smov.u32 s16;
	s20 =	simm.s32 @p1 $0x0;
	p1 =	sgt.s32 s16, $0x17F  }
0x54: {  	s26 =	sand.u32 s25, s16;
	s19 =	smul.u32 s19, s20;
	s21 =	simm.s32 @!p1 $0x17F  }
0x55: {  	p1 =	sgt.s32 s18, $0x100;
	s20 =	ssub.s32 s21, s26;
	s21 =	smov.u32 s18  }
0x56: {  	s22 =	sand.u32 s27, s18;
	s23 =	sadd.s32 $0xFFFFFE81, s20;
	s21 =	simm.s32 @!p1 $0x100  }
0x57: {  	s20 =	ssub.s32 $0x180, s20;
	p1 =	sgt.s32 s23, $0x0;
	s21 =	ssub.s32 s21, s22  }
0x58: {  	s20 =	simm.s32 @p1 $0x0;
	s22 =	sadd.s32 $0xFFFFFF00, s21  }
0x59: {  	s19 =	smul.u32 s20, s19;
	p1 =	sgt.s32 s22, $0x7F;
	s20 =	ssub.s32 $0x180, s21  }
0x5a: {  	s20 =	simm.s32 @p1 $0x0  }
0x5b: {  	s19 =	smul.u32 s20, s19;
	_ =	sdelay $0x1  }
0x5c: {  	s20 =	simm.s32 $0x1;
	s19 =	sand.u32 $0x3FFFFFFF, s19  }
0x5d: {  	s20 =	simm.s32 @!p0 $0x0;
	_ =	swait.ge [sflag:s5], s19  }
0x5e: {  	s28 =	sshll.u32 s20, $0xE;
	s19 =	ssub.s32 $0x0, s19;
	[sflag:s5] =	ssyncset.done $0x0  }
0x5f: {  	s29 =	sor.u32 $0x40, s28;
	[sflag:s5] =	ssyncadd.s32 s19  }
0x60: {  	s30 =	smul.u32 $0x10200, s20;
	v0 =	vld [tilespmem:s29+$0x30]  }
0x61: {  	v1 =	vld [tilespmem:s29+$0xFFFFFFD0]  }
0x62: {  	s19 =	sshrl.u32 s30, $0x2;
	v5 =	vld [tilespmem:s29+$0xFFFFFFE0]  }
0x63: {  	s20 =	sor.u32 $0x8000, s19;
	v6 =	vld [tilespmem:s29+$0xFFFFFFF0]  }
0x64: {  	s31 =	sand.u32 $0x1, s14;
	v4 =	vld [tilespmem:s29+$0x0];
	s21 =	sadd.s32 $0x0, s20  }
0x65: {  	s19 =	smul.u32 $0x10200, s31;
	v2 =	vld [tilespmem:s29+$0x10];
	[tilespmem:s21+$0x3870 ss:$0x81] =	vst.msk $0xffff, v0  }
0x66: {  	v3 =	vld [tilespmem:s29+$0x20];
	[tilespmem:s21+$0x810 ss:$0x81] =	vst.msk $0xffff, v1  }
0x67: {  	s22 =	sadd.s32 $0x80, s29;
	s19 =	sshrl.u32 s19, $0x2;
	v0 =	vld [tilespmem:s29+$0xFFFFFFC0];
	[tilespmem:s21+$0x1020 ss:$0x81] =	vst.msk $0xffff, v5  }
0x68: {  	s24 =	simm.s32 $0x8;
	s23 =	simm.s32 $0x4;
	s19 =	sor.u32 $0x8000, s19;
	v1 =	vld [tilespmem:s22+$0x30];
	[tilespmem:s21+$0x1830 ss:$0x81] =	vst.msk $0xffff, v6  }
.LBB1_5:
0x69: {  	p1 =	sne.s32 s24, $0x1FC;
	v5 =	vld [tilespmem:s22+$0xFFFFFFD0];
	[tilespmem:s21+$0x2040 ss:$0x81] =	vst.msk $0xffff, v4  }
0x6a: {  	v6 =	vld [tilespmem:s22+$0xFFFFFFE0];
	[tilespmem:s21+$0x2850 ss:$0x81] =	vst.msk $0xffff, v2  }
0x6b: {  	s25 =	sshra.s32 s23, $0x2;
	s23 =	smov.u32 s24;
	v7 =	vld [tilespmem:s22+$0xFFFFFFF0];
	[tilespmem:s21+$0x3060 ss:$0x81] =	vst.msk $0xffff, v3  }
.Ltmp4:
0x6c: {  	v4 =	vld [tilespmem:s22+$0x0];
	[tilespmem:s21+$0x0 ss:$0x81] =	vst.msk $0xffff, v0;
	s21 =	sadd.s32 s25, s20;
	(pc) =	sbr.rel @p1 .LBB1_5-.Ltmp4, $4  }
0x6d: {  	v2 =	vld [tilespmem:s22+$0x10];
	[tilespmem:s21+$0x3870 ss:$0x81] =	vst.msk $0xffff, v1  }
0x6e: {  	[tilespmem:s21+$0x810 ss:$0x81] =	vst.msk $0xffff, v5;
	v3 =	vld [tilespmem:s22+$0x20]  }
0x6f: {  	v0 =	vld [tilespmem:s22+$0xFFFFFFC0];
	[tilespmem:s21+$0x1020 ss:$0x81] =	vst.msk $0xffff, v6;
	s22 =	sadd.s32 $0x80, s22  }
0x70: {  	s24 =	sadd.s32 $0x4, s24;
	v1 =	vld [tilespmem:s22+$0x30];
	[tilespmem:s21+$0x1830 ss:$0x81] =	vst.msk $0xffff, v7  }
.Ltmp5:
0x71: {  	_ = 	snop;
	(pc) =	sbr.rel .LBB1_6-.Ltmp5, $1  }
0x72: {  	_ =	sdelay $0x3  }
.LBB1_8:
0x73: {  	_ =	sfence.sel $0x180000  }
0x74: {  	s2 =	simm.s32 $0x1;
	[bflag:$0x0] =	sbarrier.arrive $0xFFFF  }
0x75: {  	s31 =	simm.s32 $0x2;
	[sflag:s2] =	ssyncpa.u1 $0x1  }
0x76: {  	[sflag:s31] =	ssyncpa.u1 $0x1  }
0x77: {  	p0 =	sne.s32 s1, $0x0;
	_ =	strace $0x90000047  }
0x78: {  	s0 =	sadd.s32 @!p0 $0x100000, s0;
	[bflag:$0x2] =	sbarrier.arrive $0xFFFF  }
0x79: {  	[sflag:s0] =	ssyncadd.tile.s32 @!p0 $0x1;
	_ =	shalt  }
.Lfunc_end1:
_tile_overlayer_lowered:
.L_overlay_start_2:
0x7a: {  	(tag) =	ssettag $0x2  }
0x7b: {  	s0 =	rddreg [dreg:$0x0];
	s2 =	stileid.u32  }
0x7c: {  	s1 =	rddreg [dreg:$0x1];
	p0 =	sne.s32 s2, $0x0  }
0x7d: {  	s3 =	rddreg [dreg:$0x2];
	[bflag:$0x3] =	sbarrier.arrive $0xFFFF;
	s2 =	simm.s32 @!p0 $0x1C01  }
0x7e: {  	[timem:s3], [sflag:s2] =	dma.local @!p0 [hbm:s0], s1  }
0x7f: {  	s0 =	simm.s32 @!p0 $0x1  }
0x80: {  	_ =	swait.ge @!p0 [sflag:s0], s1  }
0x81: {  	s1 =	ssub.s32 @!p0 $0x0, s1;
	[sflag:s0] =	ssyncset.done @!p0 $0x0  }
0x82: {  	[sflag:s0] =	ssyncadd.s32 @!p0 s1  }
0x83: {  	[bflag:$0x3] =	sbarrier.arrive $0xFFFF  }
0x84: {  	_ =	shalt  }

</sc_bundles>
